<compile_context>
chip_gen: v7x
topology: tpu7x:2x2x1
jax: 0.10.2.dev20260603
libtpu: 0.0.44.dev20260713+nightly
codegen_flags: <defaults>
</compile_context>

<pallas_src>
import functools

import jax
import jax.numpy as jnp
from jax import lax
from jax.experimental import pallas as pl
from jax.experimental.pallas import tpu as pltpu
from jax.experimental.pallas import tpu_sc as plsc

N = 10000
E = 320000
D_IN = 128
D_HID = 64
D_OUT = 128

BLK = 1000
CHK = 10000
NCH = 16
EPT = E // 32
CPT = 4

_mesh = plsc.VectorSubcoreMesh(core_axis_name="c", subcore_axis_name="s")
_params = pltpu.CompilerParams(needs_layout_passes=False)


@functools.partial(
    pl.kernel,
    mesh=_mesh,
    out_type=jax.ShapeDtypeStruct((32, N), jnp.float32),
    compiler_params=_params,
    scratch_types=[
        pltpu.VMEM((N,), jnp.float32),
        pltpu.VMEM((EPT,), jnp.int32),
    ],
)
def _deg_kernel(ep_hbm, out_hbm, acc, dv):
    c = lax.axis_index("c")
    s = lax.axis_index("s")
    t = c * 16 + s
    pltpu.sync_copy(ep_hbm.at[pl.ds(t * EPT, EPT)], dv)
    z = jnp.zeros((16,), jnp.float32)
    ones = jnp.ones((16,), jnp.float32)

    @functools.partial(plsc.parallel_loop, 0, N // 16, unroll=5)
    def _(i):
        acc[pl.ds(i * 16, 16)] = z

    @functools.partial(plsc.parallel_loop, 0, EPT // 16, unroll=5)
    def _(g):
        ov = lax.shift_right_logical(dv[pl.ds(g * 16, 16)], 16)
        plsc.addupdate_scatter(acc, [ov], ones)

    pltpu.sync_copy(acc, out_hbm.at[t])


@functools.partial(
    pl.kernel,
    mesh=_mesh,
    out_type=jax.ShapeDtypeStruct((2, D_HID, N), jnp.float32),
    compiler_params=_params,
    scratch_types=[
        [pltpu.VMEM((N,), jnp.float32)] * CPT,
        [pltpu.VMEM((N,), jnp.float32)] * CPT,
        [pltpu.VMEM((CHK,), jnp.int32)] * 2,
        [pltpu.SemaphoreType.DMA] * 2,
        pltpu.SemaphoreType.DMA,
    ],
)
def _agg_kernel(hsT_hbm, ep_hbm, out_hbm, tbl, acc, ev, esem, tsem):
    c = lax.axis_index("c")
    s = lax.axis_index("s")
    z = jnp.zeros((16,), jnp.float32)
    half = c * (NCH * CHK)

    def stage(k, b):
        pltpu.async_copy(ep_hbm.at[pl.ds(half + k * CHK, CHK)], ev[b], esem[b])

    def wait(b):
        pltpu.make_async_copy(ep_hbm.at[pl.ds(0, CHK)], ev[b], esem[b]).wait()

    def process(b):
        @functools.partial(plsc.parallel_loop, 0, CHK // 16, unroll=25)
        def _(g):
            v = ev[b][pl.ds(g * 16, 16)]
            iv = jnp.bitwise_and(v, 0xFFFF)
            ov = lax.shift_right_logical(v, 16)
            for j in range(CPT):
                vals = plsc.load_gather(tbl[j], [iv])
                plsc.addupdate_scatter(acc[j], [ov], vals)

    stage(0, 0)
    for j in range(CPT):
        pltpu.async_copy(hsT_hbm.at[s * CPT + j], tbl[j], tsem)

    @functools.partial(plsc.parallel_loop, 0, N // 16, unroll=5)
    def _(i):
        for j in range(CPT):
            acc[j][pl.ds(i * 16, 16)] = z

    for j in range(CPT):
        pltpu.make_async_copy(hsT_hbm.at[s * CPT + j], tbl[j], tsem).wait()

    def pair(p, _):
        wait(0)
        stage(2 * p + 1, 1)
        process(0)
        wait(1)

        @pl.when(p + 1 < NCH // 2)
        def _():
            stage(2 * p + 2, 0)

        process(1)
        return 0

    lax.fori_loop(0, NCH // 2, pair, 0)
    for j in range(CPT):
        pltpu.async_copy(acc[j], out_hbm.at[c, s * CPT + j], tsem)
    for j in range(CPT):
        pltpu.make_async_copy(acc[j], out_hbm.at[c, s * CPT + j], tsem).wait()


def _dinv_row(degp):
    return lax.rsqrt(jnp.sum(degp, axis=0, keepdims=True) + 1.0)


def _tc_a_body(w1t_ref, x_ref, degp_ref, out_ref):
    dinv = _dinv_row(degp_ref[...])
    z = lax.dot_general(
        w1t_ref[...], x_ref[...], (((1,), (1,)), ((), ())),
        preferred_element_type=jnp.float32,
    )
    out_ref[...] = z * dinv


def _tc_b_body(hs1_ref, raw_ref, degp_ref, b1_ref, out_ref):
    dinv = _dinv_row(degp_ref[...])
    h = jnp.maximum(dinv * (hs1_ref[...] + raw_ref[0] + raw_ref[1]) + b1_ref[...],
                    0.0)
    out_ref[...] = dinv * h


def _tc_c_body(hs2_ref, raw_ref, degp_ref, w2t_ref, b2_ref, wfc_ref, bfc_ref,
               out_ref):
    dinv = _dinv_row(degp_ref[...])
    agg = dinv * (hs2_ref[...] + raw_ref[0] + raw_ref[1])
    z = lax.dot_general(
        w2t_ref[...], agg, (((1,), (0,)), ((), ())),
        preferred_element_type=jnp.float32,
    ) + b2_ref[...]
    r = jnp.maximum(z, 0.0)
    part = jnp.sum(r, axis=1, keepdims=True)
    g = jnp.sum(part * wfc_ref[...], axis=0, keepdims=True)
    out_ref[...] = g / jnp.float32(N) + bfc_ref[...]


def kernel(x, edge_index, W1, b1, W2, b2, Wfc, bfc):
    ep = jnp.bitwise_or(edge_index[0], jnp.left_shift(edge_index[1], 16))

    degp = _deg_kernel(ep)

    hs1T = pl.pallas_call(
        _tc_a_body,
        out_shape=jax.ShapeDtypeStruct((D_HID, N), jnp.float32),
    )(W1.T, x, degp)

    raw1 = _agg_kernel(hs1T, ep)

    hs2T = pl.pallas_call(
        _tc_b_body,
        out_shape=jax.ShapeDtypeStruct((D_HID, N), jnp.float32),
    )(hs1T, raw1, degp, b1.reshape(D_HID, 1))

    raw2 = _agg_kernel(hs2T, ep)

    out = pl.pallas_call(
        _tc_c_body,
        out_shape=jax.ShapeDtypeStruct((1, 1), jnp.float32),
    )(hs2T, raw2, degp, W2.T, b2.reshape(D_OUT, 1), Wfc, bfc.reshape(1, 1))
    return out

# --- scband reference (transcript-rebuilt; emitter-appended) ---
"""Pipeline reference for scband-gnn-13185549598929 (READ-ONLY COPY).

The authoritative reference and input builder live on the scoring server;
editing this copy changes nothing except your own understanding.
"""

import jax, jax.numpy as jnp
import numpy as np

N = 10000
E = 320000
D_IN = 128
D_HID = 64
D_OUT = 128


def setup_inputs(seed: int = 0) -> dict:
    key = jax.random.key(seed)
    ks = jax.random.split(key, 8)
    x = jax.random.normal(ks[0], (N, D_IN), dtype=jnp.float32)
    edge_index = jax.random.randint(ks[1], (2, E), 0, N, dtype=jnp.int32)
    W1 = jax.random.normal(ks[2], (D_IN, D_HID), dtype=jnp.float32) * (1.0 / np.sqrt(D_IN))
    b1 = jnp.zeros((D_HID,), dtype=jnp.float32)
    W2 = jax.random.normal(ks[3], (D_HID, D_OUT), dtype=jnp.float32) * (1.0 / np.sqrt(D_HID))
    b2 = jnp.zeros((D_OUT,), dtype=jnp.float32)
    Wfc = jax.random.normal(ks[4], (D_OUT, 1), dtype=jnp.float32) * (1.0 / np.sqrt(D_OUT))
    bfc = jnp.zeros((1,), dtype=jnp.float32)
    return {"x": x, "edge_index": edge_index, "W1": W1, "b1": b1, "W2": W2, "b2": b2, "Wfc": Wfc, "bfc": bfc}


def _gcn_conv(x, edge_index, W, b):
    # GCNConv with self-loops and symmetric normalization: D^{-1/2} (A+I) D^{-1/2} X W + b
    src = edge_index[0]
    dst = edge_index[1]
    loop = jnp.arange(N, dtype=edge_index.dtype)
    s = jnp.concatenate([src, loop])
    d = jnp.concatenate([dst, loop])
    deg = jnp.zeros((N,), dtype=jnp.float32).at[d].add(1.0)
    dinv = jnp.where(deg > 0, jax.lax.rsqrt(deg), 0.0)
    norm = dinv[s] * dinv[d]
    h = x @ W
    msg = h[s] * norm[:, None]
    out = jnp.zeros((N, W.shape[1]), dtype=jnp.float32).at[d].add(msg)
    return out + b


def reference(x, edge_index, W1, b1, W2, b2, Wfc, bfc):
    h = jax.nn.relu(_gcn_conv(x, edge_index, W1, b1))
    h = jax.nn.relu(_gcn_conv(h, edge_index, W2, b2))
    g = jnp.mean(h, axis=0, keepdims=True)
    out = g @ Wfc + bfc
    return out

if __name__ == "__main__":
    import jax
    _d = setup_inputs()
    print(jax.jit(kernel)(*tuple(_d.values())))

</pallas_src>

<mosaic_0001>
#map = affine_map<(d0, d1) -> (0, 0)>
#map1 = affine_map<(d0, d1) -> (0)>
#map2 = affine_map<(d0, d1) -> (0, 0, 0)>
module attributes {stable_mosaic.version = 14 : i64} {
  func.func @_agg_kernel(%arg0: i32, %arg1: i32, %arg2: memref<64x10000xf32, #tpu.memory_space<hbm>>, %arg3: memref<320000xi32, #tpu.memory_space<hbm>>, %arg4: memref<2x64x10000xf32, #tpu.memory_space<hbm>>, %arg5: memref<10000xf32, #tpu.memory_space<vmem>>, %arg6: memref<10000xf32, #tpu.memory_space<vmem>>, %arg7: memref<10000xf32, #tpu.memory_space<vmem>>, %arg8: memref<10000xf32, #tpu.memory_space<vmem>>, %arg9: memref<10000xf32, #tpu.memory_space<vmem>>, %arg10: memref<10000xf32, #tpu.memory_space<vmem>>, %arg11: memref<10000xf32, #tpu.memory_space<vmem>>, %arg12: memref<10000xf32, #tpu.memory_space<vmem>>, %arg13: memref<10000xi32, #tpu.memory_space<vmem>>, %arg14: memref<10000xi32, #tpu.memory_space<vmem>>, %arg15: memref<!tpu.dma_semaphore, #tpu.memory_space<semaphore_mem>>, %arg16: memref<!tpu.dma_semaphore, #tpu.memory_space<semaphore_mem>>, %arg17: memref<!tpu.dma_semaphore, #tpu.memory_space<semaphore_mem>>) attributes {dimension_semantics = [#tpu.dimension_semantics<core_parallel>, #tpu.dimension_semantics<subcore_parallel>], iteration_bounds = array<i64: 2, 16>, scalar_prefetch = 0 : i64, scratch_operands = 13 : i64, tpu.core_type = #tpu.core_type<sc_vector_subcore>, window_params = [{transform_indices = #map}, {transform_indices = #map1}, {transform_indices = #map2}]} {
    %broadcast_in_dim3A = arith.constant 0.000000e+00 : f32
    %broadcast_in_dim3A_0 = vector.broadcast %broadcast_in_dim3A : f32 to vector<16xf32>
    %mul3A = arith.constant 160000 : i32
    %mul3A_1 = arith.muli %arg0, %mul3A : i32
    %add3A = arith.constant 0 : i32
    %add3A_2 = arith.addi %mul3A_1, %add3A : i32
    %dma_start3A = tpu.memref_slice %arg3[%add3A_2] : memref<320000xi32, #tpu.memory_space<hbm>> -> memref<10000xi32, #tpu.memory_space<hbm>>
    %dma_start3A_3 = tpu.memref_slice %arg3[%add3A_2] : memref<320000xi32, #tpu.memory_space<hbm>> -> memref<10000xi32, #tpu.memory_space<hbm>>
    tpu.enqueue_dma source(%dma_start3A_3 : memref<10000xi32, #tpu.memory_space<hbm>>) target(%arg13 : memref<10000xi32, #tpu.memory_space<vmem>>) target_semaphore(%arg15 : memref<!tpu.dma_semaphore, #tpu.memory_space<semaphore_mem>>)
    %mul3A_4 = arith.constant 4 : i32
    %mul3A_5 = arith.muli %arg1, %mul3A_4 : i32
    %add3A_6 = arith.constant 0 : i32
    %add3A_7 = arith.addi %mul3A_5, %add3A_6 : i32
    %dma_start3A_8 = arith.constant 0 : i32
    %dma_start3A_9 = tpu.memref_slice %arg2[%add3A_7, %dma_start3A_8] : memref<64x10000xf32, #tpu.memory_space<hbm>> -> memref<1x10000xf32, #tpu.memory_space<hbm>>
    %dma_start3A_10 = tpu.memref_squeeze %dma_start3A_9 : memref<1x10000xf32, #tpu.memory_space<hbm>> -> memref<10000xf32, #tpu.memory_space<hbm>>
    %dma_start3A_11 = arith.constant 0 : i32
    %dma_start3A_12 = tpu.memref_slice %arg2[%add3A_7, %dma_start3A_11] : memref<64x10000xf32, #tpu.memory_space<hbm>> -> memref<1x10000xf32, #tpu.memory_space<hbm>>
    %dma_start3A_13 = tpu.memref_squeeze %dma_start3A_12 : memref<1x10000xf32, #tpu.memory_space<hbm>> -> memref<10000xf32, #tpu.memory_space<hbm>>
    tpu.enqueue_dma source(%dma_start3A_13 : memref<10000xf32, #tpu.memory_space<hbm>>) target(%arg5 : memref<10000xf32, #tpu.memory_space<vmem>>) target_semaphore(%arg17 : memref<!tpu.dma_semaphore, #tpu.memory_space<semaphore_mem>>)
    %mul3A_14 = arith.constant 4 : i32
    %mul3A_15 = arith.muli %arg1, %mul3A_14 : i32
    %add3A_16 = arith.constant 1 : i32
    %add3A_17 = arith.addi %mul3A_15, %add3A_16 : i32
    %dma_start3A_18 = arith.constant 0 : i32
    %dma_start3A_19 = tpu.memref_slice %arg2[%add3A_17, %dma_start3A_18] : memref<64x10000xf32, #tpu.memory_space<hbm>> -> memref<1x10000xf32, #tpu.memory_space<hbm>>
    %dma_start3A_20 = tpu.memref_squeeze %dma_start3A_19 : memref<1x10000xf32, #tpu.memory_space<hbm>> -> memref<10000xf32, #tpu.memory_space<hbm>>
    %dma_start3A_21 = arith.constant 0 : i32
    %dma_start3A_22 = tpu.memref_slice %arg2[%add3A_17, %dma_start3A_21] : memref<64x10000xf32, #tpu.memory_space<hbm>> -> memref<1x10000xf32, #tpu.memory_space<hbm>>
    %dma_start3A_23 = tpu.memref_squeeze %dma_start3A_22 : memref<1x10000xf32, #tpu.memory_space<hbm>> -> memref<10000xf32, #tpu.memory_space<hbm>>
    tpu.enqueue_dma source(%dma_start3A_23 : memref<10000xf32, #tpu.memory_space<hbm>>) target(%arg6 : memref<10000xf32, #tpu.memory_space<vmem>>) target_semaphore(%arg17 : memref<!tpu.dma_semaphore, #tpu.memory_space<semaphore_mem>>)
    %mul3A_24 = arith.constant 4 : i32
    %mul3A_25 = arith.muli %arg1, %mul3A_24 : i32
    %add3A_26 = arith.constant 2 : i32
    %add3A_27 = arith.addi %mul3A_25, %add3A_26 : i32
    %dma_start3A_28 = arith.constant 0 : i32
    %dma_start3A_29 = tpu.memref_slice %arg2[%add3A_27, %dma_start3A_28] : memref<64x10000xf32, #tpu.memory_space<hbm>> -> memref<1x10000xf32, #tpu.memory_space<hbm>>
    %dma_start3A_30 = tpu.memref_squeeze %dma_start3A_29 : memref<1x10000xf32, #tpu.memory_space<hbm>> -> memref<10000xf32, #tpu.memory_space<hbm>>
    %dma_start3A_31 = arith.constant 0 : i32
    %dma_start3A_32 = tpu.memref_slice %arg2[%add3A_27, %dma_start3A_31] : memref<64x10000xf32, #tpu.memory_space<hbm>> -> memref<1x10000xf32, #tpu.memory_space<hbm>>
    %dma_start3A_33 = tpu.memref_squeeze %dma_start3A_32 : memref<1x10000xf32, #tpu.memory_space<hbm>> -> memref<10000xf32, #tpu.memory_space<hbm>>
    tpu.enqueue_dma source(%dma_start3A_33 : memref<10000xf32, #tpu.memory_space<hbm>>) target(%arg7 : memref<10000xf32, #tpu.memory_space<vmem>>) target_semaphore(%arg17 : memref<!tpu.dma_semaphore, #tpu.memory_space<semaphore_mem>>)
    %mul3A_34 = arith.constant 4 : i32
    %mul3A_35 = arith.muli %arg1, %mul3A_34 : i32
    %add3A_36 = arith.constant 3 : i32
    %add3A_37 = arith.addi %mul3A_35, %add3A_36 : i32
    %dma_start3A_38 = arith.constant 0 : i32
    %dma_start3A_39 = tpu.memref_slice %arg2[%add3A_37, %dma_start3A_38] : memref<64x10000xf32, #tpu.memory_space<hbm>> -> memref<1x10000xf32, #tpu.memory_space<hbm>>
    %dma_start3A_40 = tpu.memref_squeeze %dma_start3A_39 : memref<1x10000xf32, #tpu.memory_space<hbm>> -> memref<10000xf32, #tpu.memory_space<hbm>>
    %dma_start3A_41 = arith.constant 0 : i32
    %dma_start3A_42 = tpu.memref_slice %arg2[%add3A_37, %dma_start3A_41] : memref<64x10000xf32, #tpu.memory_space<hbm>> -> memref<1x10000xf32, #tpu.memory_space<hbm>>
    %dma_start3A_43 = tpu.memref_squeeze %dma_start3A_42 : memref<1x10000xf32, #tpu.memory_space<hbm>> -> memref<10000xf32, #tpu.memory_space<hbm>>
    tpu.enqueue_dma source(%dma_start3A_43 : memref<10000xf32, #tpu.memory_space<hbm>>) target(%arg8 : memref<10000xf32, #tpu.memory_space<vmem>>) target_semaphore(%arg17 : memref<!tpu.dma_semaphore, #tpu.memory_space<semaphore_mem>>)
    %mul3A_44 = arith.constant 4 : i32
    %mul3A_45 = arith.muli %arg1, %mul3A_44 : i32
    %add3A_46 = arith.constant 0 : i32
    %add3A_47 = arith.addi %mul3A_45, %add3A_46 : i32
    %dma_wait3A = arith.constant 0 : i32
    %dma_wait3A_48 = tpu.memref_slice %arg2[%add3A_47, %dma_wait3A] : memref<64x10000xf32, #tpu.memory_space<hbm>> -> memref<1x10000xf32, #tpu.memory_space<hbm>>
    %dma_wait3A_49 = tpu.memref_squeeze %dma_wait3A_48 : memref<1x10000xf32, #tpu.memory_space<hbm>> -> memref<10000xf32, #tpu.memory_space<hbm>>
    %dma_wait3A_50 = arith.constant 0 : i32
    %dma_wait3A_51 = tpu.memref_slice %arg2[%add3A_47, %dma_wait3A_50] : memref<64x10000xf32, #tpu.memory_space<hbm>> -> memref<1x10000xf32, #tpu.memory_space<hbm>>
    %dma_wait3A_52 = tpu.memref_squeeze %dma_wait3A_51 : memref<1x10000xf32, #tpu.memory_space<hbm>> -> memref<10000xf32, #tpu.memory_space<hbm>>
    tpu.wait_dma2 semaphore(%arg17 : memref<!tpu.dma_semaphore, #tpu.memory_space<semaphore_mem>>) src(%dma_wait3A_52 : memref<10000xf32, #tpu.memory_space<hbm>>) dst(%arg5 : memref<10000xf32, #tpu.memory_space<vmem>>)
    %mul3A_53 = arith.constant 4 : i32
    %mul3A_54 = arith.muli %arg1, %mul3A_53 : i32
    %add3A_55 = arith.constant 1 : i32
    %add3A_56 = arith.addi %mul3A_54, %add3A_55 : i32
    %dma_wait3A_57 = arith.constant 0 : i32
    %dma_wait3A_58 = tpu.memref_slice %arg2[%add3A_56, %dma_wait3A_57] : memref<64x10000xf32, #tpu.memory_space<hbm>> -> memref<1x10000xf32, #tpu.memory_space<hbm>>
    %dma_wait3A_59 = tpu.memref_squeeze %dma_wait3A_58 : memref<1x10000xf32, #tpu.memory_space<hbm>> -> memref<10000xf32, #tpu.memory_space<hbm>>
    %dma_wait3A_60 = arith.constant 0 : i32
    %dma_wait3A_61 = tpu.memref_slice %arg2[%add3A_56, %dma_wait3A_60] : memref<64x10000xf32, #tpu.memory_space<hbm>> -> memref<1x10000xf32, #tpu.memory_space<hbm>>
    %dma_wait3A_62 = tpu.memref_squeeze %dma_wait3A_61 : memref<1x10000xf32, #tpu.memory_space<hbm>> -> memref<10000xf32, #tpu.memory_space<hbm>>
    tpu.wait_dma2 semaphore(%arg17 : memref<!tpu.dma_semaphore, #tpu.memory_space<semaphore_mem>>) src(%dma_wait3A_62 : memref<10000xf32, #tpu.memory_space<hbm>>) dst(%arg6 : memref<10000xf32, #tpu.memory_space<vmem>>)
    %mul3A_63 = arith.constant 4 : i32
    %mul3A_64 = arith.muli %arg1, %mul3A_63 : i32
    %add3A_65 = arith.constant 2 : i32
    %add3A_66 = arith.addi %mul3A_64, %add3A_65 : i32
    %dma_wait3A_67 = arith.constant 0 : i32
    %dma_wait3A_68 = tpu.memref_slice %arg2[%add3A_66, %dma_wait3A_67] : memref<64x10000xf32, #tpu.memory_space<hbm>> -> memref<1x10000xf32, #tpu.memory_space<hbm>>
    %dma_wait3A_69 = tpu.memref_squeeze %dma_wait3A_68 : memref<1x10000xf32, #tpu.memory_space<hbm>> -> memref<10000xf32, #tpu.memory_space<hbm>>
    %dma_wait3A_70 = arith.constant 0 : i32
    %dma_wait3A_71 = tpu.memref_slice %arg2[%add3A_66, %dma_wait3A_70] : memref<64x10000xf32, #tpu.memory_space<hbm>> -> memref<1x10000xf32, #tpu.memory_space<hbm>>
    %dma_wait3A_72 = tpu.memref_squeeze %dma_wait3A_71 : memref<1x10000xf32, #tpu.memory_space<hbm>> -> memref<10000xf32, #tpu.memory_space<hbm>>
    tpu.wait_dma2 semaphore(%arg17 : memref<!tpu.dma_semaphore, #tpu.memory_space<semaphore_mem>>) src(%dma_wait3A_72 : memref<10000xf32, #tpu.memory_space<hbm>>) dst(%arg7 : memref<10000xf32, #tpu.memory_space<vmem>>)
    %mul3A_73 = arith.constant 4 : i32
    %mul3A_74 = arith.muli %arg1, %mul3A_73 : i32
    %add3A_75 = arith.constant 3 : i32
    %add3A_76 = arith.addi %mul3A_74, %add3A_75 : i32
    %dma_wait3A_77 = arith.constant 0 : i32
    %dma_wait3A_78 = tpu.memref_slice %arg2[%add3A_76, %dma_wait3A_77] : memref<64x10000xf32, #tpu.memory_space<hbm>> -> memref<1x10000xf32, #tpu.memory_space<hbm>>
    %dma_wait3A_79 = tpu.memref_squeeze %dma_wait3A_78 : memref<1x10000xf32, #tpu.memory_space<hbm>> -> memref<10000xf32, #tpu.memory_space<hbm>>
    %dma_wait3A_80 = arith.constant 0 : i32
    %dma_wait3A_81 = tpu.memref_slice %arg2[%add3A_76, %dma_wait3A_80] : memref<64x10000xf32, #tpu.memory_space<hbm>> -> memref<1x10000xf32, #tpu.memory_space<hbm>>
    %dma_wait3A_82 = tpu.memref_squeeze %dma_wait3A_81 : memref<1x10000xf32, #tpu.memory_space<hbm>> -> memref<10000xf32, #tpu.memory_space<hbm>>
    tpu.wait_dma2 semaphore(%arg17 : memref<!tpu.dma_semaphore, #tpu.memory_space<semaphore_mem>>) src(%dma_wait3A_82 : memref<10000xf32, #tpu.memory_space<hbm>>) dst(%arg8 : memref<10000xf32, #tpu.memory_space<vmem>>)
    %scan3A = arith.constant 0 : i32
    %scan3A_83 = arith.constant 0 : i32
    %scan3A_84 = arith.constant 8 : i32
    %scan3A_85 = arith.addi %scan3A_83, %scan3A_84 : i32
    %scan3A_86 = arith.constant 1 : i32
    %scan3A_87 = scf.for %scan3A_169 = %scan3A_83 to %scan3A_85 step %scan3A_86 iter_args(%scan3A_170 = %scan3A) -> (i32)  : i32 {
      %dma_wait3A_171 = arith.constant 0 : i32
      %dma_wait3A_172 = tpu.memref_slice %arg3[%dma_wait3A_171] : memref<320000xi32, #tpu.memory_space<hbm>> -> memref<10000xi32, #tpu.memory_space<hbm>>
      %dma_wait3A_173 = arith.constant 0 : i32
      %dma_wait3A_174 = tpu.memref_slice %arg3[%dma_wait3A_173] : memref<320000xi32, #tpu.memory_space<hbm>> -> memref<10000xi32, #tpu.memory_space<hbm>>
      tpu.wait_dma2 semaphore(%arg15 : memref<!tpu.dma_semaphore, #tpu.memory_space<semaphore_mem>>) src(%dma_wait3A_174 : memref<10000xi32, #tpu.memory_space<hbm>>) dst(%arg13 : memref<10000xi32, #tpu.memory_space<vmem>>)
      %mul3A_175 = arith.constant 2 : i32
      %mul3A_176 = arith.muli %mul3A_175, %scan3A_169 : i32
      %add3A_177 = arith.constant 1 : i32
      %add3A_178 = arith.addi %mul3A_176, %add3A_177 : i32
      %mul3A_179 = arith.constant 10000 : i32
      %mul3A_180 = arith.muli %add3A_178, %mul3A_179 : i32
      %add3A_181 = arith.addi %mul3A_1, %mul3A_180 : i32
      %dma_start3A_182 = tpu.memref_slice %arg3[%add3A_181] : memref<320000xi32, #tpu.memory_space<hbm>> -> memref<10000xi32, #tpu.memory_space<hbm>>
      %dma_start3A_183 = tpu.memref_slice %arg3[%add3A_181] : memref<320000xi32, #tpu.memory_space<hbm>> -> memref<10000xi32, #tpu.memory_space<hbm>>
      tpu.enqueue_dma source(%dma_start3A_183 : memref<10000xi32, #tpu.memory_space<hbm>>) target(%arg14 : memref<10000xi32, #tpu.memory_space<vmem>>) target_semaphore(%arg16 : memref<!tpu.dma_semaphore, #tpu.memory_space<semaphore_mem>>)
      %dma_wait3A_184 = arith.constant 0 : i32
      %dma_wait3A_185 = tpu.memref_slice %arg3[%dma_wait3A_184] : memref<320000xi32, #tpu.memory_space<hbm>> -> memref<10000xi32, #tpu.memory_space<hbm>>
      %dma_wait3A_186 = arith.constant 0 : i32
      %dma_wait3A_187 = tpu.memref_slice %arg3[%dma_wait3A_186] : memref<320000xi32, #tpu.memory_space<hbm>> -> memref<10000xi32, #tpu.memory_space<hbm>>
      tpu.wait_dma2 semaphore(%arg16 : memref<!tpu.dma_semaphore, #tpu.memory_space<semaphore_mem>>) src(%dma_wait3A_187 : memref<10000xi32, #tpu.memory_space<hbm>>) dst(%arg14 : memref<10000xi32, #tpu.memory_space<vmem>>)
      %add3A_188 = arith.constant 1 : i32
      %add3A_189 = arith.addi %scan3A_169, %add3A_188 : i32
      %lt3A = arith.constant 8 : i32
      %lt3A_190 = arith.cmpi slt, %add3A_189, %lt3A : i32
      %convert_element_type3A = arith.extui %lt3A_190 : i1 to i32
      %cond3A = arith.constant 0 : i32
      %cond3A_191 = arith.cmpi ne, %convert_element_type3A, %cond3A : i32
      scf.if %cond3A_191 {
        %mul3A_193 = arith.constant 2 : i32
        %mul3A_194 = arith.muli %mul3A_193, %scan3A_169 : i32
        %add3A_195 = arith.constant 2 : i32
        %add3A_196 = arith.addi %mul3A_194, %add3A_195 : i32
        %mul3A_197 = arith.constant 10000 : i32
        %mul3A_198 = arith.muli %add3A_196, %mul3A_197 : i32
        %add3A_199 = arith.addi %mul3A_1, %mul3A_198 : i32
        %dma_start3A_200 = tpu.memref_slice %arg3[%add3A_199] : memref<320000xi32, #tpu.memory_space<hbm>> -> memref<10000xi32, #tpu.memory_space<hbm>>
        %dma_start3A_201 = tpu.memref_slice %arg3[%add3A_199] : memref<320000xi32, #tpu.memory_space<hbm>> -> memref<10000xi32, #tpu.memory_space<hbm>>
        tpu.enqueue_dma source(%dma_start3A_201 : memref<10000xi32, #tpu.memory_space<hbm>>) target(%arg13 : memref<10000xi32, #tpu.memory_space<vmem>>) target_semaphore(%arg15 : memref<!tpu.dma_semaphore, #tpu.memory_space<semaphore_mem>>)
      } else {
      }
      %scan3A_192 = arith.constant 0 : i32
      scf.yield %scan3A_192 : i32
    }
    %scan3A_88 = arith.constant 8 : i32
    %mul3A_89 = arith.constant 4 : i32
    %mul3A_90 = arith.muli %arg1, %mul3A_89 : i32
    %add3A_91 = arith.constant 0 : i32
    %add3A_92 = arith.addi %mul3A_90, %add3A_91 : i32
    %dma_start3A_93 = arith.constant 0 : i32
    %dma_start3A_94 = tpu.memref_slice %arg4[%arg0, %add3A_92, %dma_start3A_93] : memref<2x64x10000xf32, #tpu.memory_space<hbm>> -> memref<1x1x10000xf32, #tpu.memory_space<hbm>>
    %dma_start3A_95 = tpu.memref_squeeze %dma_start3A_94 : memref<1x1x10000xf32, #tpu.memory_space<hbm>> -> memref<10000xf32, #tpu.memory_space<hbm>>
    %dma_start3A_96 = arith.constant 0 : i32
    %dma_start3A_97 = tpu.memref_slice %arg4[%arg0, %add3A_92, %dma_start3A_96] : memref<2x64x10000xf32, #tpu.memory_space<hbm>> -> memref<1x1x10000xf32, #tpu.memory_space<hbm>>
    %dma_start3A_98 = tpu.memref_squeeze %dma_start3A_97 : memref<1x1x10000xf32, #tpu.memory_space<hbm>> -> memref<10000xf32, #tpu.memory_space<hbm>>
    tpu.enqueue_dma source(%arg9 : memref<10000xf32, #tpu.memory_space<vmem>>) target(%dma_start3A_98 : memref<10000xf32, #tpu.memory_space<hbm>>) target_semaphore(%arg17 : memref<!tpu.dma_semaphore, #tpu.memory_space<semaphore_mem>>)
    %mul3A_99 = arith.constant 4 : i32
    %mul3A_100 = arith.muli %arg1, %mul3A_99 : i32
    %add3A_101 = arith.constant 1 : i32
    %add3A_102 = arith.addi %mul3A_100, %add3A_101 : i32
    %dma_start3A_103 = arith.constant 0 : i32
    %dma_start3A_104 = tpu.memref_slice %arg4[%arg0, %add3A_102, %dma_start3A_103] : memref<2x64x10000xf32, #tpu.memory_space<hbm>> -> memref<1x1x10000xf32, #tpu.memory_space<hbm>>
    %dma_start3A_105 = tpu.memref_squeeze %dma_start3A_104 : memref<1x1x10000xf32, #tpu.memory_space<hbm>> -> memref<10000xf32, #tpu.memory_space<hbm>>
    %dma_start3A_106 = arith.constant 0 : i32
    %dma_start3A_107 = tpu.memref_slice %arg4[%arg0, %add3A_102, %dma_start3A_106] : memref<2x64x10000xf32, #tpu.memory_space<hbm>> -> memref<1x1x10000xf32, #tpu.memory_space<hbm>>
    %dma_start3A_108 = tpu.memref_squeeze %dma_start3A_107 : memref<1x1x10000xf32, #tpu.memory_space<hbm>> -> memref<10000xf32, #tpu.memory_space<hbm>>
    tpu.enqueue_dma source(%arg10 : memref<10000xf32, #tpu.memory_space<vmem>>) target(%dma_start3A_108 : memref<10000xf32, #tpu.memory_space<hbm>>) target_semaphore(%arg17 : memref<!tpu.dma_semaphore, #tpu.memory_space<semaphore_mem>>)
    %mul3A_109 = arith.constant 4 : i32
    %mul3A_110 = arith.muli %arg1, %mul3A_109 : i32
    %add3A_111 = arith.constant 2 : i32
    %add3A_112 = arith.addi %mul3A_110, %add3A_111 : i32
    %dma_start3A_113 = arith.constant 0 : i32
    %dma_start3A_114 = tpu.memref_slice %arg4[%arg0, %add3A_112, %dma_start3A_113] : memref<2x64x10000xf32, #tpu.memory_space<hbm>> -> memref<1x1x10000xf32, #tpu.memory_space<hbm>>
    %dma_start3A_115 = tpu.memref_squeeze %dma_start3A_114 : memref<1x1x10000xf32, #tpu.memory_space<hbm>> -> memref<10000xf32, #tpu.memory_space<hbm>>
    %dma_start3A_116 = arith.constant 0 : i32
    %dma_start3A_117 = tpu.memref_slice %arg4[%arg0, %add3A_112, %dma_start3A_116] : memref<2x64x10000xf32, #tpu.memory_space<hbm>> -> memref<1x1x10000xf32, #tpu.memory_space<hbm>>
    %dma_start3A_118 = tpu.memref_squeeze %dma_start3A_117 : memref<1x1x10000xf32, #tpu.memory_space<hbm>> -> memref<10000xf32, #tpu.memory_space<hbm>>
    tpu.enqueue_dma source(%arg11 : memref<10000xf32, #tpu.memory_space<vmem>>) target(%dma_start3A_118 : memref<10000xf32, #tpu.memory_space<hbm>>) target_semaphore(%arg17 : memref<!tpu.dma_semaphore, #tpu.memory_space<semaphore_mem>>)
    %mul3A_119 = arith.constant 4 : i32
    %mul3A_120 = arith.muli %arg1, %mul3A_119 : i32
    %add3A_121 = arith.constant 3 : i32
    %add3A_122 = arith.addi %mul3A_120, %add3A_121 : i32
    %dma_start3A_123 = arith.constant 0 : i32
    %dma_start3A_124 = tpu.memref_slice %arg4[%arg0, %add3A_122, %dma_start3A_123] : memref<2x64x10000xf32, #tpu.memory_space<hbm>> -> memref<1x1x10000xf32, #tpu.memory_space<hbm>>
    %dma_start3A_125 = tpu.memref_squeeze %dma_start3A_124 : memref<1x1x10000xf32, #tpu.memory_space<hbm>> -> memref<10000xf32, #tpu.memory_space<hbm>>
    %dma_start3A_126 = arith.constant 0 : i32
    %dma_start3A_127 = tpu.memref_slice %arg4[%arg0, %add3A_122, %dma_start3A_126] : memref<2x64x10000xf32, #tpu.memory_space<hbm>> -> memref<1x1x10000xf32, #tpu.memory_space<hbm>>
    %dma_start3A_128 = tpu.memref_squeeze %dma_start3A_127 : memref<1x1x10000xf32, #tpu.memory_space<hbm>> -> memref<10000xf32, #tpu.memory_space<hbm>>
    tpu.enqueue_dma source(%arg12 : memref<10000xf32, #tpu.memory_space<vmem>>) target(%dma_start3A_128 : memref<10000xf32, #tpu.memory_space<hbm>>) target_semaphore(%arg17 : memref<!tpu.dma_semaphore, #tpu.memory_space<semaphore_mem>>)
    %mul3A_129 = arith.constant 4 : i32
    %mul3A_130 = arith.muli %arg1, %mul3A_129 : i32
    %add3A_131 = arith.constant 0 : i32
    %add3A_132 = arith.addi %mul3A_130, %add3A_131 : i32
    %dma_wait3A_133 = arith.constant 0 : i32
    %dma_wait3A_134 = tpu.memref_slice %arg4[%arg0, %add3A_132, %dma_wait3A_133] : memref<2x64x10000xf32, #tpu.memory_space<hbm>> -> memref<1x1x10000xf32, #tpu.memory_space<hbm>>
    %dma_wait3A_135 = tpu.memref_squeeze %dma_wait3A_134 : memref<1x1x10000xf32, #tpu.memory_space<hbm>> -> memref<10000xf32, #tpu.memory_space<hbm>>
    %dma_wait3A_136 = arith.constant 0 : i32
    %dma_wait3A_137 = tpu.memref_slice %arg4[%arg0, %add3A_132, %dma_wait3A_136] : memref<2x64x10000xf32, #tpu.memory_space<hbm>> -> memref<1x1x10000xf32, #tpu.memory_space<hbm>>
    %dma_wait3A_138 = tpu.memref_squeeze %dma_wait3A_137 : memref<1x1x10000xf32, #tpu.memory_space<hbm>> -> memref<10000xf32, #tpu.memory_space<hbm>>
    tpu.wait_dma2 semaphore(%arg17 : memref<!tpu.dma_semaphore, #tpu.memory_space<semaphore_mem>>) src(%arg9 : memref<10000xf32, #tpu.memory_space<vmem>>) dst(%dma_wait3A_138 : memref<10000xf32, #tpu.memory_space<hbm>>)
    %mul3A_139 = arith.constant 4 : i32
    %mul3A_140 = arith.muli %arg1, %mul3A_139 : i32
    %add3A_141 = arith.constant 1 : i32
    %add3A_142 = arith.addi %mul3A_140, %add3A_141 : i32
    %dma_wait3A_143 = arith.constant 0 : i32
    %dma_wait3A_144 = tpu.memref_slice %arg4[%arg0, %add3A_142, %dma_wait3A_143] : memref<2x64x10000xf32, #tpu.memory_space<hbm>> -> memref<1x1x10000xf32, #tpu.memory_space<hbm>>
    %dma_wait3A_145 = tpu.memref_squeeze %dma_wait3A_144 : memref<1x1x10000xf32, #tpu.memory_space<hbm>> -> memref<10000xf32, #tpu.memory_space<hbm>>
    %dma_wait3A_146 = arith.constant 0 : i32
    %dma_wait3A_147 = tpu.memref_slice %arg4[%arg0, %add3A_142, %dma_wait3A_146] : memref<2x64x10000xf32, #tpu.memory_space<hbm>> -> memref<1x1x10000xf32, #tpu.memory_space<hbm>>
    %dma_wait3A_148 = tpu.memref_squeeze %dma_wait3A_147 : memref<1x1x10000xf32, #tpu.memory_space<hbm>> -> memref<10000xf32, #tpu.memory_space<hbm>>
    tpu.wait_dma2 semaphore(%arg17 : memref<!tpu.dma_semaphore, #tpu.memory_space<semaphore_mem>>) src(%arg10 : memref<10000xf32, #tpu.memory_space<vmem>>) dst(%dma_wait3A_148 : memref<10000xf32, #tpu.memory_space<hbm>>)
    %mul3A_149 = arith.constant 4 : i32
    %mul3A_150 = arith.muli %arg1, %mul3A_149 : i32
    %add3A_151 = arith.constant 2 : i32
    %add3A_152 = arith.addi %mul3A_150, %add3A_151 : i32
    %dma_wait3A_153 = arith.constant 0 : i32
    %dma_wait3A_154 = tpu.memref_slice %arg4[%arg0, %add3A_152, %dma_wait3A_153] : memref<2x64x10000xf32, #tpu.memory_space<hbm>> -> memref<1x1x10000xf32, #tpu.memory_space<hbm>>
    %dma_wait3A_155 = tpu.memref_squeeze %dma_wait3A_154 : memref<1x1x10000xf32, #tpu.memory_space<hbm>> -> memref<10000xf32, #tpu.memory_space<hbm>>
    %dma_wait3A_156 = arith.constant 0 : i32
    %dma_wait3A_157 = tpu.memref_slice %arg4[%arg0, %add3A_152, %dma_wait3A_156] : memref<2x64x10000xf32, #tpu.memory_space<hbm>> -> memref<1x1x10000xf32, #tpu.memory_space<hbm>>
    %dma_wait3A_158 = tpu.memref_squeeze %dma_wait3A_157 : memref<1x1x10000xf32, #tpu.memory_space<hbm>> -> memref<10000xf32, #tpu.memory_space<hbm>>
    tpu.wait_dma2 semaphore(%arg17 : memref<!tpu.dma_semaphore, #tpu.memory_space<semaphore_mem>>) src(%arg11 : memref<10000xf32, #tpu.memory_space<vmem>>) dst(%dma_wait3A_158 : memref<10000xf32, #tpu.memory_space<hbm>>)
    %mul3A_159 = arith.constant 4 : i32
    %mul3A_160 = arith.muli %arg1, %mul3A_159 : i32
    %add3A_161 = arith.constant 3 : i32
    %add3A_162 = arith.addi %mul3A_160, %add3A_161 : i32
    %dma_wait3A_163 = arith.constant 0 : i32
    %dma_wait3A_164 = tpu.memref_slice %arg4[%arg0, %add3A_162, %dma_wait3A_163] : memref<2x64x10000xf32, #tpu.memory_space<hbm>> -> memref<1x1x10000xf32, #tpu.memory_space<hbm>>
    %dma_wait3A_165 = tpu.memref_squeeze %dma_wait3A_164 : memref<1x1x10000xf32, #tpu.memory_space<hbm>> -> memref<10000xf32, #tpu.memory_space<hbm>>
    %dma_wait3A_166 = arith.constant 0 : i32
    %dma_wait3A_167 = tpu.memref_slice %arg4[%arg0, %add3A_162, %dma_wait3A_166] : memref<2x64x10000xf32, #tpu.memory_space<hbm>> -> memref<1x1x10000xf32, #tpu.memory_space<hbm>>
    %dma_wait3A_168 = tpu.memref_squeeze %dma_wait3A_167 : memref<1x1x10000xf32, #tpu.memory_space<hbm>> -> memref<10000xf32, #tpu.memory_space<hbm>>
    tpu.wait_dma2 semaphore(%arg17 : memref<!tpu.dma_semaphore, #tpu.memory_space<semaphore_mem>>) src(%arg12 : memref<10000xf32, #tpu.memory_space<vmem>>) dst(%dma_wait3A_168 : memref<10000xf32, #tpu.memory_space<hbm>>)
    return
  }
}

#map = affine_map<(d0, d1) -> (0)>
#map1 = affine_map<(d0, d1) -> (0, 0)>
module attributes {stable_mosaic.version = 14 : i64} {
  func.func @_deg_kernel(%arg0: i32, %arg1: i32, %arg2: memref<320000xi32, #tpu.memory_space<hbm>>, %arg3: memref<32x10000xf32, #tpu.memory_space<hbm>>, %arg4: memref<10000xf32, #tpu.memory_space<vmem>>, %arg5: memref<10000xi32, #tpu.memory_space<vmem>>) attributes {dimension_semantics = [#tpu.dimension_semantics<core_parallel>, #tpu.dimension_semantics<subcore_parallel>], iteration_bounds = array<i64: 2, 16>, scalar_prefetch = 0 : i64, scratch_operands = 2 : i64, tpu.core_type = #tpu.core_type<sc_vector_subcore>, window_params = [{transform_indices = #map}, {transform_indices = #map1}]} {
    %mul3A = arith.constant 16 : i32
    %mul3A_0 = arith.muli %arg0, %mul3A : i32
    %add3A = arith.addi %mul3A_0, %arg1 : i32
    %mul3A_1 = arith.constant 10000 : i32
    %mul3A_2 = arith.muli %add3A, %mul3A_1 : i32
    "tpu.region"() ({
      %run_scoped3A = tpu.sem_alloc : memref<!tpu.dma_semaphore, #tpu.memory_space<semaphore_mem>>
      %dma_start3A = tpu.memref_slice %arg2[%mul3A_2] : memref<320000xi32, #tpu.memory_space<hbm>> -> memref<10000xi32, #tpu.memory_space<hbm>>
      %dma_start3A_6 = tpu.memref_slice %arg2[%mul3A_2] : memref<320000xi32, #tpu.memory_space<hbm>> -> memref<10000xi32, #tpu.memory_space<hbm>>
      tpu.enqueue_dma source(%dma_start3A_6 : memref<10000xi32, #tpu.memory_space<hbm>>) target(%arg5 : memref<10000xi32, #tpu.memory_space<vmem>>) target_semaphore(%run_scoped3A : memref<!tpu.dma_semaphore, #tpu.memory_space<semaphore_mem>>)
      %dma_wait3A = tpu.memref_slice %arg2[%mul3A_2] : memref<320000xi32, #tpu.memory_space<hbm>> -> memref<10000xi32, #tpu.memory_space<hbm>>
      %dma_wait3A_7 = tpu.memref_slice %arg2[%mul3A_2] : memref<320000xi32, #tpu.memory_space<hbm>> -> memref<10000xi32, #tpu.memory_space<hbm>>
      tpu.wait_dma2 semaphore(%run_scoped3A : memref<!tpu.dma_semaphore, #tpu.memory_space<semaphore_mem>>) src(%dma_wait3A_7 : memref<10000xi32, #tpu.memory_space<hbm>>) dst(%arg5 : memref<10000xi32, #tpu.memory_space<vmem>>)
      tpu.yield
    }) : () -> ()
    %broadcast_in_dim3A = arith.constant 0.000000e+00 : f32
    %broadcast_in_dim3A_3 = vector.broadcast %broadcast_in_dim3A : f32 to vector<16xf32>
    %broadcast_in_dim3A_4 = arith.constant 1.000000e+00 : f32
    %broadcast_in_dim3A_5 = vector.broadcast %broadcast_in_dim3A_4 : f32 to vector<16xf32>
    "tpu.region"() ({
      %run_scoped3A = tpu.sem_alloc : memref<!tpu.dma_semaphore, #tpu.memory_space<semaphore_mem>>
      %dma_start3A = arith.constant 0 : i32
      %dma_start3A_6 = tpu.memref_slice %arg3[%add3A, %dma_start3A] : memref<32x10000xf32, #tpu.memory_space<hbm>> -> memref<1x10000xf32, #tpu.memory_space<hbm>>
      %dma_start3A_7 = tpu.memref_squeeze %dma_start3A_6 : memref<1x10000xf32, #tpu.memory_space<hbm>> -> memref<10000xf32, #tpu.memory_space<hbm>>
      %dma_start3A_8 = arith.constant 0 : i32
      %dma_start3A_9 = tpu.memref_slice %arg3[%add3A, %dma_start3A_8] : memref<32x10000xf32, #tpu.memory_space<hbm>> -> memref<1x10000xf32, #tpu.memory_space<hbm>>
      %dma_start3A_10 = tpu.memref_squeeze %dma_start3A_9 : memref<1x10000xf32, #tpu.memory_space<hbm>> -> memref<10000xf32, #tpu.memory_space<hbm>>
      tpu.enqueue_dma source(%arg4 : memref<10000xf32, #tpu.memory_space<vmem>>) target(%dma_start3A_10 : memref<10000xf32, #tpu.memory_space<hbm>>) target_semaphore(%run_scoped3A : memref<!tpu.dma_semaphore, #tpu.memory_space<semaphore_mem>>)
      %dma_wait3A = arith.constant 0 : i32
      %dma_wait3A_11 = tpu.memref_slice %arg3[%add3A, %dma_wait3A] : memref<32x10000xf32, #tpu.memory_space<hbm>> -> memref<1x10000xf32, #tpu.memory_space<hbm>>
      %dma_wait3A_12 = tpu.memref_squeeze %dma_wait3A_11 : memref<1x10000xf32, #tpu.memory_space<hbm>> -> memref<10000xf32, #tpu.memory_space<hbm>>
      %dma_wait3A_13 = arith.constant 0 : i32
      %dma_wait3A_14 = tpu.memref_slice %arg3[%add3A, %dma_wait3A_13] : memref<32x10000xf32, #tpu.memory_space<hbm>> -> memref<1x10000xf32, #tpu.memory_space<hbm>>
      %dma_wait3A_15 = tpu.memref_squeeze %dma_wait3A_14 : memref<1x10000xf32, #tpu.memory_space<hbm>> -> memref<10000xf32, #tpu.memory_space<hbm>>
      tpu.wait_dma2 semaphore(%run_scoped3A : memref<!tpu.dma_semaphore, #tpu.memory_space<semaphore_mem>>) src(%arg4 : memref<10000xf32, #tpu.memory_space<vmem>>) dst(%dma_wait3A_15 : memref<10000xf32, #tpu.memory_space<hbm>>)
      tpu.yield
    }) : () -> ()
    return
  }
}

#map = affine_map<(d0, d1) -> (0, 0)>
#map1 = affine_map<(d0, d1) -> (0)>
#map2 = affine_map<(d0, d1) -> (0, 0, 0)>
module attributes {stable_mosaic.version = 14 : i64} {
  func.func @_agg_kernel(%arg0: i32, %arg1: i32, %arg2: memref<64x10000xf32, #tpu.memory_space<hbm>>, %arg3: memref<320000xi32, #tpu.memory_space<hbm>>, %arg4: memref<2x64x10000xf32, #tpu.memory_space<hbm>>, %arg5: memref<10000xf32, #tpu.memory_space<vmem>>, %arg6: memref<10000xf32, #tpu.memory_space<vmem>>, %arg7: memref<10000xf32, #tpu.memory_space<vmem>>, %arg8: memref<10000xf32, #tpu.memory_space<vmem>>, %arg9: memref<10000xf32, #tpu.memory_space<vmem>>, %arg10: memref<10000xf32, #tpu.memory_space<vmem>>, %arg11: memref<10000xf32, #tpu.memory_space<vmem>>, %arg12: memref<10000xf32, #tpu.memory_space<vmem>>, %arg13: memref<10000xi32, #tpu.memory_space<vmem>>, %arg14: memref<10000xi32, #tpu.memory_space<vmem>>, %arg15: memref<!tpu.dma_semaphore, #tpu.memory_space<semaphore_mem>>, %arg16: memref<!tpu.dma_semaphore, #tpu.memory_space<semaphore_mem>>, %arg17: memref<!tpu.dma_semaphore, #tpu.memory_space<semaphore_mem>>) attributes {dimension_semantics = [#tpu.dimension_semantics<core_parallel>, #tpu.dimension_semantics<subcore_parallel>], iteration_bounds = array<i64: 2, 16>, scalar_prefetch = 0 : i64, scratch_operands = 13 : i64, tpu.core_type = #tpu.core_type<sc_vector_subcore>, window_params = [{transform_indices = #map}, {transform_indices = #map1}, {transform_indices = #map2}]} {
    %broadcast_in_dim3A = arith.constant 0.000000e+00 : f32
    %broadcast_in_dim3A_0 = vector.broadcast %broadcast_in_dim3A : f32 to vector<16xf32>
    %mul3A = arith.constant 160000 : i32
    %mul3A_1 = arith.muli %arg0, %mul3A : i32
    %add3A = arith.constant 0 : i32
    %add3A_2 = arith.addi %mul3A_1, %add3A : i32
    %dma_start3A = tpu.memref_slice %arg3[%add3A_2] : memref<320000xi32, #tpu.memory_space<hbm>> -> memref<10000xi32, #tpu.memory_space<hbm>>
    %dma_start3A_3 = tpu.memref_slice %arg3[%add3A_2] : memref<320000xi32, #tpu.memory_space<hbm>> -> memref<10000xi32, #tpu.memory_space<hbm>>
    tpu.enqueue_dma source(%dma_start3A_3 : memref<10000xi32, #tpu.memory_space<hbm>>) target(%arg13 : memref<10000xi32, #tpu.memory_space<vmem>>) target_semaphore(%arg15 : memref<!tpu.dma_semaphore, #tpu.memory_space<semaphore_mem>>)
    %mul3A_4 = arith.constant 4 : i32
    %mul3A_5 = arith.muli %arg1, %mul3A_4 : i32
    %add3A_6 = arith.constant 0 : i32
    %add3A_7 = arith.addi %mul3A_5, %add3A_6 : i32
    %dma_start3A_8 = arith.constant 0 : i32
    %dma_start3A_9 = tpu.memref_slice %arg2[%add3A_7, %dma_start3A_8] : memref<64x10000xf32, #tpu.memory_space<hbm>> -> memref<1x10000xf32, #tpu.memory_space<hbm>>
    %dma_start3A_10 = tpu.memref_squeeze %dma_start3A_9 : memref<1x10000xf32, #tpu.memory_space<hbm>> -> memref<10000xf32, #tpu.memory_space<hbm>>
    %dma_start3A_11 = arith.constant 0 : i32
    %dma_start3A_12 = tpu.memref_slice %arg2[%add3A_7, %dma_start3A_11] : memref<64x10000xf32, #tpu.memory_space<hbm>> -> memref<1x10000xf32, #tpu.memory_space<hbm>>
    %dma_start3A_13 = tpu.memref_squeeze %dma_start3A_12 : memref<1x10000xf32, #tpu.memory_space<hbm>> -> memref<10000xf32, #tpu.memory_space<hbm>>
    tpu.enqueue_dma source(%dma_start3A_13 : memref<10000xf32, #tpu.memory_space<hbm>>) target(%arg5 : memref<10000xf32, #tpu.memory_space<vmem>>) target_semaphore(%arg17 : memref<!tpu.dma_semaphore, #tpu.memory_space<semaphore_mem>>)
    %mul3A_14 = arith.constant 4 : i32
    %mul3A_15 = arith.muli %arg1, %mul3A_14 : i32
    %add3A_16 = arith.constant 1 : i32
    %add3A_17 = arith.addi %mul3A_15, %add3A_16 : i32
    %dma_start3A_18 = arith.constant 0 : i32
    %dma_start3A_19 = tpu.memref_slice %arg2[%add3A_17, %dma_start3A_18] : memref<64x10000xf32, #tpu.memory_space<hbm>> -> memref<1x10000xf32, #tpu.memory_space<hbm>>
    %dma_start3A_20 = tpu.memref_squeeze %dma_start3A_19 : memref<1x10000xf32, #tpu.memory_space<hbm>> -> memref<10000xf32, #tpu.memory_space<hbm>>
    %dma_start3A_21 = arith.constant 0 : i32
    %dma_start3A_22 = tpu.memref_slice %arg2[%add3A_17, %dma_start3A_21] : memref<64x10000xf32, #tpu.memory_space<hbm>> -> memref<1x10000xf32, #tpu.memory_space<hbm>>
    %dma_start3A_23 = tpu.memref_squeeze %dma_start3A_22 : memref<1x10000xf32, #tpu.memory_space<hbm>> -> memref<10000xf32, #tpu.memory_space<hbm>>
    tpu.enqueue_dma source(%dma_start3A_23 : memref<10000xf32, #tpu.memory_space<hbm>>) target(%arg6 : memref<10000xf32, #tpu.memory_space<vmem>>) target_semaphore(%arg17 : memref<!tpu.dma_semaphore, #tpu.memory_space<semaphore_mem>>)
    %mul3A_24 = arith.constant 4 : i32
    %mul3A_25 = arith.muli %arg1, %mul3A_24 : i32
    %add3A_26 = arith.constant 2 : i32
    %add3A_27 = arith.addi %mul3A_25, %add3A_26 : i32
    %dma_start3A_28 = arith.constant 0 : i32
    %dma_start3A_29 = tpu.memref_slice %arg2[%add3A_27, %dma_start3A_28] : memref<64x10000xf32, #tpu.memory_space<hbm>> -> memref<1x10000xf32, #tpu.memory_space<hbm>>
    %dma_start3A_30 = tpu.memref_squeeze %dma_start3A_29 : memref<1x10000xf32, #tpu.memory_space<hbm>> -> memref<10000xf32, #tpu.memory_space<hbm>>
    %dma_start3A_31 = arith.constant 0 : i32
    %dma_start3A_32 = tpu.memref_slice %arg2[%add3A_27, %dma_start3A_31] : memref<64x10000xf32, #tpu.memory_space<hbm>> -> memref<1x10000xf32, #tpu.memory_space<hbm>>
    %dma_start3A_33 = tpu.memref_squeeze %dma_start3A_32 : memref<1x10000xf32, #tpu.memory_space<hbm>> -> memref<10000xf32, #tpu.memory_space<hbm>>
    tpu.enqueue_dma source(%dma_start3A_33 : memref<10000xf32, #tpu.memory_space<hbm>>) target(%arg7 : memref<10000xf32, #tpu.memory_space<vmem>>) target_semaphore(%arg17 : memref<!tpu.dma_semaphore, #tpu.memory_space<semaphore_mem>>)
    %mul3A_34 = arith.constant 4 : i32
    %mul3A_35 = arith.muli %arg1, %mul3A_34 : i32
    %add3A_36 = arith.constant 3 : i32
    %add3A_37 = arith.addi %mul3A_35, %add3A_36 : i32
    %dma_start3A_38 = arith.constant 0 : i32
    %dma_start3A_39 = tpu.memref_slice %arg2[%add3A_37, %dma_start3A_38] : memref<64x10000xf32, #tpu.memory_space<hbm>> -> memref<1x10000xf32, #tpu.memory_space<hbm>>
    %dma_start3A_40 = tpu.memref_squeeze %dma_start3A_39 : memref<1x10000xf32, #tpu.memory_space<hbm>> -> memref<10000xf32, #tpu.memory_space<hbm>>
    %dma_start3A_41 = arith.constant 0 : i32
    %dma_start3A_42 = tpu.memref_slice %arg2[%add3A_37, %dma_start3A_41] : memref<64x10000xf32, #tpu.memory_space<hbm>> -> memref<1x10000xf32, #tpu.memory_space<hbm>>
    %dma_start3A_43 = tpu.memref_squeeze %dma_start3A_42 : memref<1x10000xf32, #tpu.memory_space<hbm>> -> memref<10000xf32, #tpu.memory_space<hbm>>
    tpu.enqueue_dma source(%dma_start3A_43 : memref<10000xf32, #tpu.memory_space<hbm>>) target(%arg8 : memref<10000xf32, #tpu.memory_space<vmem>>) target_semaphore(%arg17 : memref<!tpu.dma_semaphore, #tpu.memory_space<semaphore_mem>>)
    %mul3A_44 = arith.constant 4 : i32
    %mul3A_45 = arith.muli %arg1, %mul3A_44 : i32
    %add3A_46 = arith.constant 0 : i32
    %add3A_47 = arith.addi %mul3A_45, %add3A_46 : i32
    %dma_wait3A = arith.constant 0 : i32
    %dma_wait3A_48 = tpu.memref_slice %arg2[%add3A_47, %dma_wait3A] : memref<64x10000xf32, #tpu.memory_space<hbm>> -> memref<1x10000xf32, #tpu.memory_space<hbm>>
    %dma_wait3A_49 = tpu.memref_squeeze %dma_wait3A_48 : memref<1x10000xf32, #tpu.memory_space<hbm>> -> memref<10000xf32, #tpu.memory_space<hbm>>
    %dma_wait3A_50 = arith.constant 0 : i32
    %dma_wait3A_51 = tpu.memref_slice %arg2[%add3A_47, %dma_wait3A_50] : memref<64x10000xf32, #tpu.memory_space<hbm>> -> memref<1x10000xf32, #tpu.memory_space<hbm>>
    %dma_wait3A_52 = tpu.memref_squeeze %dma_wait3A_51 : memref<1x10000xf32, #tpu.memory_space<hbm>> -> memref<10000xf32, #tpu.memory_space<hbm>>
    tpu.wait_dma2 semaphore(%arg17 : memref<!tpu.dma_semaphore, #tpu.memory_space<semaphore_mem>>) src(%dma_wait3A_52 : memref<10000xf32, #tpu.memory_space<hbm>>) dst(%arg5 : memref<10000xf32, #tpu.memory_space<vmem>>)
    %mul3A_53 = arith.constant 4 : i32
    %mul3A_54 = arith.muli %arg1, %mul3A_53 : i32
    %add3A_55 = arith.constant 1 : i32
    %add3A_56 = arith.addi %mul3A_54, %add3A_55 : i32
    %dma_wait3A_57 = arith.constant 0 : i32
    %dma_wait3A_58 = tpu.memref_slice %arg2[%add3A_56, %dma_wait3A_57] : memref<64x10000xf32, #tpu.memory_space<hbm>> -> memref<1x10000xf32, #tpu.memory_space<hbm>>
    %dma_wait3A_59 = tpu.memref_squeeze %dma_wait3A_58 : memref<1x10000xf32, #tpu.memory_space<hbm>> -> memref<10000xf32, #tpu.memory_space<hbm>>
    %dma_wait3A_60 = arith.constant 0 : i32
    %dma_wait3A_61 = tpu.memref_slice %arg2[%add3A_56, %dma_wait3A_60] : memref<64x10000xf32, #tpu.memory_space<hbm>> -> memref<1x10000xf32, #tpu.memory_space<hbm>>
    %dma_wait3A_62 = tpu.memref_squeeze %dma_wait3A_61 : memref<1x10000xf32, #tpu.memory_space<hbm>> -> memref<10000xf32, #tpu.memory_space<hbm>>
    tpu.wait_dma2 semaphore(%arg17 : memref<!tpu.dma_semaphore, #tpu.memory_space<semaphore_mem>>) src(%dma_wait3A_62 : memref<10000xf32, #tpu.memory_space<hbm>>) dst(%arg6 : memref<10000xf32, #tpu.memory_space<vmem>>)
    %mul3A_63 = arith.constant 4 : i32
    %mul3A_64 = arith.muli %arg1, %mul3A_63 : i32
    %add3A_65 = arith.constant 2 : i32
    %add3A_66 = arith.addi %mul3A_64, %add3A_65 : i32
    %dma_wait3A_67 = arith.constant 0 : i32
    %dma_wait3A_68 = tpu.memref_slice %arg2[%add3A_66, %dma_wait3A_67] : memref<64x10000xf32, #tpu.memory_space<hbm>> -> memref<1x10000xf32, #tpu.memory_space<hbm>>
    %dma_wait3A_69 = tpu.memref_squeeze %dma_wait3A_68 : memref<1x10000xf32, #tpu.memory_space<hbm>> -> memref<10000xf32, #tpu.memory_space<hbm>>
    %dma_wait3A_70 = arith.constant 0 : i32
    %dma_wait3A_71 = tpu.memref_slice %arg2[%add3A_66, %dma_wait3A_70] : memref<64x10000xf32, #tpu.memory_space<hbm>> -> memref<1x10000xf32, #tpu.memory_space<hbm>>
    %dma_wait3A_72 = tpu.memref_squeeze %dma_wait3A_71 : memref<1x10000xf32, #tpu.memory_space<hbm>> -> memref<10000xf32, #tpu.memory_space<hbm>>
    tpu.wait_dma2 semaphore(%arg17 : memref<!tpu.dma_semaphore, #tpu.memory_space<semaphore_mem>>) src(%dma_wait3A_72 : memref<10000xf32, #tpu.memory_space<hbm>>) dst(%arg7 : memref<10000xf32, #tpu.memory_space<vmem>>)
    %mul3A_73 = arith.constant 4 : i32
    %mul3A_74 = arith.muli %arg1, %mul3A_73 : i32
    %add3A_75 = arith.constant 3 : i32
    %add3A_76 = arith.addi %mul3A_74, %add3A_75 : i32
    %dma_wait3A_77 = arith.constant 0 : i32
    %dma_wait3A_78 = tpu.memref_slice %arg2[%add3A_76, %dma_wait3A_77] : memref<64x10000xf32, #tpu.memory_space<hbm>> -> memref<1x10000xf32, #tpu.memory_space<hbm>>
    %dma_wait3A_79 = tpu.memref_squeeze %dma_wait3A_78 : memref<1x10000xf32, #tpu.memory_space<hbm>> -> memref<10000xf32, #tpu.memory_space<hbm>>
    %dma_wait3A_80 = arith.constant 0 : i32
    %dma_wait3A_81 = tpu.memref_slice %arg2[%add3A_76, %dma_wait3A_80] : memref<64x10000xf32, #tpu.memory_space<hbm>> -> memref<1x10000xf32, #tpu.memory_space<hbm>>
    %dma_wait3A_82 = tpu.memref_squeeze %dma_wait3A_81 : memref<1x10000xf32, #tpu.memory_space<hbm>> -> memref<10000xf32, #tpu.memory_space<hbm>>
    tpu.wait_dma2 semaphore(%arg17 : memref<!tpu.dma_semaphore, #tpu.memory_space<semaphore_mem>>) src(%dma_wait3A_82 : memref<10000xf32, #tpu.memory_space<hbm>>) dst(%arg8 : memref<10000xf32, #tpu.memory_space<vmem>>)
    %scan3A = arith.constant 0 : i32
    %scan3A_83 = arith.constant 0 : i32
    %scan3A_84 = arith.constant 8 : i32
    %scan3A_85 = arith.addi %scan3A_83, %scan3A_84 : i32
    %scan3A_86 = arith.constant 1 : i32
    %scan3A_87 = scf.for %scan3A_169 = %scan3A_83 to %scan3A_85 step %scan3A_86 iter_args(%scan3A_170 = %scan3A) -> (i32)  : i32 {
      %dma_wait3A_171 = arith.constant 0 : i32
      %dma_wait3A_172 = tpu.memref_slice %arg3[%dma_wait3A_171] : memref<320000xi32, #tpu.memory_space<hbm>> -> memref<10000xi32, #tpu.memory_space<hbm>>
      %dma_wait3A_173 = arith.constant 0 : i32
      %dma_wait3A_174 = tpu.memref_slice %arg3[%dma_wait3A_173] : memref<320000xi32, #tpu.memory_space<hbm>> -> memref<10000xi32, #tpu.memory_space<hbm>>
      tpu.wait_dma2 semaphore(%arg15 : memref<!tpu.dma_semaphore, #tpu.memory_space<semaphore_mem>>) src(%dma_wait3A_174 : memref<10000xi32, #tpu.memory_space<hbm>>) dst(%arg13 : memref<10000xi32, #tpu.memory_space<vmem>>)
      %mul3A_175 = arith.constant 2 : i32
      %mul3A_176 = arith.muli %mul3A_175, %scan3A_169 : i32
      %add3A_177 = arith.constant 1 : i32
      %add3A_178 = arith.addi %mul3A_176, %add3A_177 : i32
      %mul3A_179 = arith.constant 10000 : i32
      %mul3A_180 = arith.muli %add3A_178, %mul3A_179 : i32
      %add3A_181 = arith.addi %mul3A_1, %mul3A_180 : i32
      %dma_start3A_182 = tpu.memref_slice %arg3[%add3A_181] : memref<320000xi32, #tpu.memory_space<hbm>> -> memref<10000xi32, #tpu.memory_space<hbm>>
      %dma_start3A_183 = tpu.memref_slice %arg3[%add3A_181] : memref<320000xi32, #tpu.memory_space<hbm>> -> memref<10000xi32, #tpu.memory_space<hbm>>
      tpu.enqueue_dma source(%dma_start3A_183 : memref<10000xi32, #tpu.memory_space<hbm>>) target(%arg14 : memref<10000xi32, #tpu.memory_space<vmem>>) target_semaphore(%arg16 : memref<!tpu.dma_semaphore, #tpu.memory_space<semaphore_mem>>)
      %dma_wait3A_184 = arith.constant 0 : i32
      %dma_wait3A_185 = tpu.memref_slice %arg3[%dma_wait3A_184] : memref<320000xi32, #tpu.memory_space<hbm>> -> memref<10000xi32, #tpu.memory_space<hbm>>
      %dma_wait3A_186 = arith.constant 0 : i32
      %dma_wait3A_187 = tpu.memref_slice %arg3[%dma_wait3A_186] : memref<320000xi32, #tpu.memory_space<hbm>> -> memref<10000xi32, #tpu.memory_space<hbm>>
      tpu.wait_dma2 semaphore(%arg16 : memref<!tpu.dma_semaphore, #tpu.memory_space<semaphore_mem>>) src(%dma_wait3A_187 : memref<10000xi32, #tpu.memory_space<hbm>>) dst(%arg14 : memref<10000xi32, #tpu.memory_space<vmem>>)
      %add3A_188 = arith.constant 1 : i32
      %add3A_189 = arith.addi %scan3A_169, %add3A_188 : i32
      %lt3A = arith.constant 8 : i32
      %lt3A_190 = arith.cmpi slt, %add3A_189, %lt3A : i32
      %convert_element_type3A = arith.extui %lt3A_190 : i1 to i32
      %cond3A = arith.constant 0 : i32
      %cond3A_191 = arith.cmpi ne, %convert_element_type3A, %cond3A : i32
      scf.if %cond3A_191 {
        %mul3A_193 = arith.constant 2 : i32
        %mul3A_194 = arith.muli %mul3A_193, %scan3A_169 : i32
        %add3A_195 = arith.constant 2 : i32
        %add3A_196 = arith.addi %mul3A_194, %add3A_195 : i32
        %mul3A_197 = arith.constant 10000 : i32
        %mul3A_198 = arith.muli %add3A_196, %mul3A_197 : i32
        %add3A_199 = arith.addi %mul3A_1, %mul3A_198 : i32
        %dma_start3A_200 = tpu.memref_slice %arg3[%add3A_199] : memref<320000xi32, #tpu.memory_space<hbm>> -> memref<10000xi32, #tpu.memory_space<hbm>>
        %dma_start3A_201 = tpu.memref_slice %arg3[%add3A_199] : memref<320000xi32, #tpu.memory_space<hbm>> -> memref<10000xi32, #tpu.memory_space<hbm>>
        tpu.enqueue_dma source(%dma_start3A_201 : memref<10000xi32, #tpu.memory_space<hbm>>) target(%arg13 : memref<10000xi32, #tpu.memory_space<vmem>>) target_semaphore(%arg15 : memref<!tpu.dma_semaphore, #tpu.memory_space<semaphore_mem>>)
      } else {
      }
      %scan3A_192 = arith.constant 0 : i32
      scf.yield %scan3A_192 : i32
    }
    %scan3A_88 = arith.constant 8 : i32
    %mul3A_89 = arith.constant 4 : i32
    %mul3A_90 = arith.muli %arg1, %mul3A_89 : i32
    %add3A_91 = arith.constant 0 : i32
    %add3A_92 = arith.addi %mul3A_90, %add3A_91 : i32
    %dma_start3A_93 = arith.constant 0 : i32
    %dma_start3A_94 = tpu.memref_slice %arg4[%arg0, %add3A_92, %dma_start3A_93] : memref<2x64x10000xf32, #tpu.memory_space<hbm>> -> memref<1x1x10000xf32, #tpu.memory_space<hbm>>
    %dma_start3A_95 = tpu.memref_squeeze %dma_start3A_94 : memref<1x1x10000xf32, #tpu.memory_space<hbm>> -> memref<10000xf32, #tpu.memory_space<hbm>>
    %dma_start3A_96 = arith.constant 0 : i32
    %dma_start3A_97 = tpu.memref_slice %arg4[%arg0, %add3A_92, %dma_start3A_96] : memref<2x64x10000xf32, #tpu.memory_space<hbm>> -> memref<1x1x10000xf32, #tpu.memory_space<hbm>>
    %dma_start3A_98 = tpu.memref_squeeze %dma_start3A_97 : memref<1x1x10000xf32, #tpu.memory_space<hbm>> -> memref<10000xf32, #tpu.memory_space<hbm>>
    tpu.enqueue_dma source(%arg9 : memref<10000xf32, #tpu.memory_space<vmem>>) target(%dma_start3A_98 : memref<10000xf32, #tpu.memory_space<hbm>>) target_semaphore(%arg17 : memref<!tpu.dma_semaphore, #tpu.memory_space<semaphore_mem>>)
    %mul3A_99 = arith.constant 4 : i32
    %mul3A_100 = arith.muli %arg1, %mul3A_99 : i32
    %add3A_101 = arith.constant 1 : i32
    %add3A_102 = arith.addi %mul3A_100, %add3A_101 : i32
    %dma_start3A_103 = arith.constant 0 : i32
    %dma_start3A_104 = tpu.memref_slice %arg4[%arg0, %add3A_102, %dma_start3A_103] : memref<2x64x10000xf32, #tpu.memory_space<hbm>> -> memref<1x1x10000xf32, #tpu.memory_space<hbm>>
    %dma_start3A_105 = tpu.memref_squeeze %dma_start3A_104 : memref<1x1x10000xf32, #tpu.memory_space<hbm>> -> memref<10000xf32, #tpu.memory_space<hbm>>
    %dma_start3A_106 = arith.constant 0 : i32
    %dma_start3A_107 = tpu.memref_slice %arg4[%arg0, %add3A_102, %dma_start3A_106] : memref<2x64x10000xf32, #tpu.memory_space<hbm>> -> memref<1x1x10000xf32, #tpu.memory_space<hbm>>
    %dma_start3A_108 = tpu.memref_squeeze %dma_start3A_107 : memref<1x1x10000xf32, #tpu.memory_space<hbm>> -> memref<10000xf32, #tpu.memory_space<hbm>>
    tpu.enqueue_dma source(%arg10 : memref<10000xf32, #tpu.memory_space<vmem>>) target(%dma_start3A_108 : memref<10000xf32, #tpu.memory_space<hbm>>) target_semaphore(%arg17 : memref<!tpu.dma_semaphore, #tpu.memory_space<semaphore_mem>>)
    %mul3A_109 = arith.constant 4 : i32
    %mul3A_110 = arith.muli %arg1, %mul3A_109 : i32
    %add3A_111 = arith.constant 2 : i32
    %add3A_112 = arith.addi %mul3A_110, %add3A_111 : i32
    %dma_start3A_113 = arith.constant 0 : i32
    %dma_start3A_114 = tpu.memref_slice %arg4[%arg0, %add3A_112, %dma_start3A_113] : memref<2x64x10000xf32, #tpu.memory_space<hbm>> -> memref<1x1x10000xf32, #tpu.memory_space<hbm>>
    %dma_start3A_115 = tpu.memref_squeeze %dma_start3A_114 : memref<1x1x10000xf32, #tpu.memory_space<hbm>> -> memref<10000xf32, #tpu.memory_space<hbm>>
    %dma_start3A_116 = arith.constant 0 : i32
    %dma_start3A_117 = tpu.memref_slice %arg4[%arg0, %add3A_112, %dma_start3A_116] : memref<2x64x10000xf32, #tpu.memory_space<hbm>> -> memref<1x1x10000xf32, #tpu.memory_space<hbm>>
    %dma_start3A_118 = tpu.memref_squeeze %dma_start3A_117 : memref<1x1x10000xf32, #tpu.memory_space<hbm>> -> memref<10000xf32, #tpu.memory_space<hbm>>
    tpu.enqueue_dma source(%arg11 : memref<10000xf32, #tpu.memory_space<vmem>>) target(%dma_start3A_118 : memref<10000xf32, #tpu.memory_space<hbm>>) target_semaphore(%arg17 : memref<!tpu.dma_semaphore, #tpu.memory_space<semaphore_mem>>)
    %mul3A_119 = arith.constant 4 : i32
    %mul3A_120 = arith.muli %arg1, %mul3A_119 : i32
    %add3A_121 = arith.constant 3 : i32
    %add3A_122 = arith.addi %mul3A_120, %add3A_121 : i32
    %dma_start3A_123 = arith.constant 0 : i32
    %dma_start3A_124 = tpu.memref_slice %arg4[%arg0, %add3A_122, %dma_start3A_123] : memref<2x64x10000xf32, #tpu.memory_space<hbm>> -> memref<1x1x10000xf32, #tpu.memory_space<hbm>>
    %dma_start3A_125 = tpu.memref_squeeze %dma_start3A_124 : memref<1x1x10000xf32, #tpu.memory_space<hbm>> -> memref<10000xf32, #tpu.memory_space<hbm>>
    %dma_start3A_126 = arith.constant 0 : i32
    %dma_start3A_127 = tpu.memref_slice %arg4[%arg0, %add3A_122, %dma_start3A_126] : memref<2x64x10000xf32, #tpu.memory_space<hbm>> -> memref<1x1x10000xf32, #tpu.memory_space<hbm>>
    %dma_start3A_128 = tpu.memref_squeeze %dma_start3A_127 : memref<1x1x10000xf32, #tpu.memory_space<hbm>> -> memref<10000xf32, #tpu.memory_space<hbm>>
    tpu.enqueue_dma source(%arg12 : memref<10000xf32, #tpu.memory_space<vmem>>) target(%dma_start3A_128 : memref<10000xf32, #tpu.memory_space<hbm>>) target_semaphore(%arg17 : memref<!tpu.dma_semaphore, #tpu.memory_space<semaphore_mem>>)
    %mul3A_129 = arith.constant 4 : i32
    %mul3A_130 = arith.muli %arg1, %mul3A_129 : i32
    %add3A_131 = arith.constant 0 : i32
    %add3A_132 = arith.addi %mul3A_130, %add3A_131 : i32
    %dma_wait3A_133 = arith.constant 0 : i32
    %dma_wait3A_134 = tpu.memref_slice %arg4[%arg0, %add3A_132, %dma_wait3A_133] : memref<2x64x10000xf32, #tpu.memory_space<hbm>> -> memref<1x1x10000xf32, #tpu.memory_space<hbm>>
    %dma_wait3A_135 = tpu.memref_squeeze %dma_wait3A_134 : memref<1x1x10000xf32, #tpu.memory_space<hbm>> -> memref<10000xf32, #tpu.memory_space<hbm>>
    %dma_wait3A_136 = arith.constant 0 : i32
    %dma_wait3A_137 = tpu.memref_slice %arg4[%arg0, %add3A_132, %dma_wait3A_136] : memref<2x64x10000xf32, #tpu.memory_space<hbm>> -> memref<1x1x10000xf32, #tpu.memory_space<hbm>>
    %dma_wait3A_138 = tpu.memref_squeeze %dma_wait3A_137 : memref<1x1x10000xf32, #tpu.memory_space<hbm>> -> memref<10000xf32, #tpu.memory_space<hbm>>
    tpu.wait_dma2 semaphore(%arg17 : memref<!tpu.dma_semaphore, #tpu.memory_space<semaphore_mem>>) src(%arg9 : memref<10000xf32, #tpu.memory_space<vmem>>) dst(%dma_wait3A_138 : memref<10000xf32, #tpu.memory_space<hbm>>)
    %mul3A_139 = arith.constant 4 : i32
    %mul3A_140 = arith.muli %arg1, %mul3A_139 : i32
    %add3A_141 = arith.constant 1 : i32
    %add3A_142 = arith.addi %mul3A_140, %add3A_141 : i32
    %dma_wait3A_143 = arith.constant 0 : i32
    %dma_wait3A_144 = tpu.memref_slice %arg4[%arg0, %add3A_142, %dma_wait3A_143] : memref<2x64x10000xf32, #tpu.memory_space<hbm>> -> memref<1x1x10000xf32, #tpu.memory_space<hbm>>
    %dma_wait3A_145 = tpu.memref_squeeze %dma_wait3A_144 : memref<1x1x10000xf32, #tpu.memory_space<hbm>> -> memref<10000xf32, #tpu.memory_space<hbm>>
    %dma_wait3A_146 = arith.constant 0 : i32
    %dma_wait3A_147 = tpu.memref_slice %arg4[%arg0, %add3A_142, %dma_wait3A_146] : memref<2x64x10000xf32, #tpu.memory_space<hbm>> -> memref<1x1x10000xf32, #tpu.memory_space<hbm>>
    %dma_wait3A_148 = tpu.memref_squeeze %dma_wait3A_147 : memref<1x1x10000xf32, #tpu.memory_space<hbm>> -> memref<10000xf32, #tpu.memory_space<hbm>>
    tpu.wait_dma2 semaphore(%arg17 : memref<!tpu.dma_semaphore, #tpu.memory_space<semaphore_mem>>) src(%arg10 : memref<10000xf32, #tpu.memory_space<vmem>>) dst(%dma_wait3A_148 : memref<10000xf32, #tpu.memory_space<hbm>>)
    %mul3A_149 = arith.constant 4 : i32
    %mul3A_150 = arith.muli %arg1, %mul3A_149 : i32
    %add3A_151 = arith.constant 2 : i32
    %add3A_152 = arith.addi %mul3A_150, %add3A_151 : i32
    %dma_wait3A_153 = arith.constant 0 : i32
    %dma_wait3A_154 = tpu.memref_slice %arg4[%arg0, %add3A_152, %dma_wait3A_153] : memref<2x64x10000xf32, #tpu.memory_space<hbm>> -> memref<1x1x10000xf32, #tpu.memory_space<hbm>>
    %dma_wait3A_155 = tpu.memref_squeeze %dma_wait3A_154 : memref<1x1x10000xf32, #tpu.memory_space<hbm>> -> memref<10000xf32, #tpu.memory_space<hbm>>
    %dma_wait3A_156 = arith.constant 0 : i32
    %dma_wait3A_157 = tpu.memref_slice %arg4[%arg0, %add3A_152, %dma_wait3A_156] : memref<2x64x10000xf32, #tpu.memory_space<hbm>> -> memref<1x1x10000xf32, #tpu.memory_space<hbm>>
    %dma_wait3A_158 = tpu.memref_squeeze %dma_wait3A_157 : memref<1x1x10000xf32, #tpu.memory_space<hbm>> -> memref<10000xf32, #tpu.memory_space<hbm>>
    tpu.wait_dma2 semaphore(%arg17 : memref<!tpu.dma_semaphore, #tpu.memory_space<semaphore_mem>>) src(%arg11 : memref<10000xf32, #tpu.memory_space<vmem>>) dst(%dma_wait3A_158 : memref<10000xf32, #tpu.memory_space<hbm>>)
    %mul3A_159 = arith.constant 4 : i32
    %mul3A_160 = arith.muli %arg1, %mul3A_159 : i32
    %add3A_161 = arith.constant 3 : i32
    %add3A_162 = arith.addi %mul3A_160, %add3A_161 : i32
    %dma_wait3A_163 = arith.constant 0 : i32
    %dma_wait3A_164 = tpu.memref_slice %arg4[%arg0, %add3A_162, %dma_wait3A_163] : memref<2x64x10000xf32, #tpu.memory_space<hbm>> -> memref<1x1x10000xf32, #tpu.memory_space<hbm>>
    %dma_wait3A_165 = tpu.memref_squeeze %dma_wait3A_164 : memref<1x1x10000xf32, #tpu.memory_space<hbm>> -> memref<10000xf32, #tpu.memory_space<hbm>>
    %dma_wait3A_166 = arith.constant 0 : i32
    %dma_wait3A_167 = tpu.memref_slice %arg4[%arg0, %add3A_162, %dma_wait3A_166] : memref<2x64x10000xf32, #tpu.memory_space<hbm>> -> memref<1x1x10000xf32, #tpu.memory_space<hbm>>
    %dma_wait3A_168 = tpu.memref_squeeze %dma_wait3A_167 : memref<1x1x10000xf32, #tpu.memory_space<hbm>> -> memref<10000xf32, #tpu.memory_space<hbm>>
    tpu.wait_dma2 semaphore(%arg17 : memref<!tpu.dma_semaphore, #tpu.memory_space<semaphore_mem>>) src(%arg12 : memref<10000xf32, #tpu.memory_space<vmem>>) dst(%dma_wait3A_168 : memref<10000xf32, #tpu.memory_space<hbm>>)
    return
  }
}

module attributes {stable_mosaic.version = 14 : i64} {
  func.func @_tc_a_body(%arg0: memref<64x128xf32, #tpu.memory_space<vmem>>, %arg1: memref<10000x128xf32, #tpu.memory_space<vmem>>, %arg2: memref<32x10000xf32, #tpu.memory_space<vmem>>, %arg3: memref<64x10000xf32, #tpu.memory_space<vmem>>) attributes {dimension_semantics = [], scalar_prefetch = 0 : i64, scratch_operands = 0 : i64, tpu.core_type = #tpu.core_type<tc>} {
    %get3A = arith.constant 0 : index
    %get3A_0 = arith.constant 0 : index
    %get3A_1 = vector.load %arg2[%get3A, %get3A_0] : memref<32x10000xf32, #tpu.memory_space<vmem>>, vector<32x10000xf32>
    %reduce_sum3A = arith.constant dense<0.000000e+00> : vector<10000xf32>
    %reduce_sum3A_2 = vector.multi_reduction <add>, %get3A_1, %reduce_sum3A [0] : vector<32x10000xf32> to vector<10000xf32>
    %broadcast_in_dim3A = vector.shape_cast %reduce_sum3A_2 : vector<10000xf32> to vector<1x10000xf32>
    %add3A = arith.constant 1.000000e+00 : f32
    %add3A_3 = vector.broadcast %add3A : f32 to vector<1x10000xf32>
    %add3A_4 = arith.addf %broadcast_in_dim3A, %add3A_3 : vector<1x10000xf32>
    %rsqrt3A = math.rsqrt %add3A_4 : vector<1x10000xf32>
    %get3A_5 = arith.constant 0 : index
    %get3A_6 = arith.constant 0 : index
    %get3A_7 = vector.load %arg0[%get3A_5, %get3A_6] : memref<64x128xf32, #tpu.memory_space<vmem>>, vector<64x128xf32>
    %get3A_8 = arith.constant 0 : index
    %get3A_9 = arith.constant 0 : index
    %get3A_10 = vector.load %arg1[%get3A_8, %get3A_9] : memref<10000x128xf32, #tpu.memory_space<vmem>>, vector<10000x128xf32>
    %dot_general3A = arith.constant dense<0.000000e+00> : vector<64x10000xf32>
    %dot_general3A_11 = tpu.matmul %get3A_7, %get3A_10, %dot_general3A {dimension_numbers = #tpu.dot_dimension_numbers<[1], [1], [0], [0], [0, 0, 1, 0], [], []>, transpose_lhs_hint = false} : vector<64x128xf32>, vector<10000x128xf32>, vector<64x10000xf32> -> vector<64x10000xf32>
    %mul3A = vector.broadcast %rsqrt3A : vector<1x10000xf32> to vector<64x10000xf32>
    %mul3A_12 = arith.mulf %dot_general3A_11, %mul3A : vector<64x10000xf32>
    %swap3A = arith.constant 0 : index
    %swap3A_13 = arith.constant 0 : index
    %swap3A_14 = vector.load %arg3[%swap3A, %swap3A_13] : memref<64x10000xf32, #tpu.memory_space<vmem>>, vector<64x10000xf32>
    tpu.vector_store %arg3[%swap3A, %swap3A_13], %mul3A_12 {strides = array<i32>} : memref<64x10000xf32, #tpu.memory_space<vmem>>, vector<64x10000xf32>,
    return
  }
}

module attributes {stable_mosaic.version = 14 : i64} {
  func.func @_tc_b_body(%arg0: memref<64x10000xf32, #tpu.memory_space<vmem>>, %arg1: memref<2x64x10000xf32, #tpu.memory_space<vmem>>, %arg2: memref<32x10000xf32, #tpu.memory_space<vmem>>, %arg3: memref<64x1xf32, #tpu.memory_space<vmem>>, %arg4: memref<64x10000xf32, #tpu.memory_space<vmem>>) attributes {dimension_semantics = [], scalar_prefetch = 0 : i64, scratch_operands = 0 : i64, tpu.core_type = #tpu.core_type<tc>} {
    %get3A = arith.constant 0 : index
    %get3A_0 = arith.constant 0 : index
    %get3A_1 = vector.load %arg2[%get3A, %get3A_0] : memref<32x10000xf32, #tpu.memory_space<vmem>>, vector<32x10000xf32>
    %reduce_sum3A = arith.constant dense<0.000000e+00> : vector<10000xf32>
    %reduce_sum3A_2 = vector.multi_reduction <add>, %get3A_1, %reduce_sum3A [0] : vector<32x10000xf32> to vector<10000xf32>
    %broadcast_in_dim3A = vector.shape_cast %reduce_sum3A_2 : vector<10000xf32> to vector<1x10000xf32>
    %add3A = arith.constant 1.000000e+00 : f32
    %add3A_3 = vector.broadcast %add3A : f32 to vector<1x10000xf32>
    %add3A_4 = arith.addf %broadcast_in_dim3A, %add3A_3 : vector<1x10000xf32>
    %rsqrt3A = math.rsqrt %add3A_4 : vector<1x10000xf32>
    %get3A_5 = arith.constant 0 : index
    %get3A_6 = arith.constant 0 : index
    %get3A_7 = vector.load %arg0[%get3A_5, %get3A_6] : memref<64x10000xf32, #tpu.memory_space<vmem>>, vector<64x10000xf32>
    %get3A_8 = arith.constant 0 : index
    %get3A_9 = arith.constant 0 : index
    %get3A_10 = arith.constant 0 : index
    %get3A_11 = vector.load %arg1[%get3A_8, %get3A_9, %get3A_10] : memref<2x64x10000xf32, #tpu.memory_space<vmem>>, vector<1x64x10000xf32>
    %get3A_12 = vector.shape_cast %get3A_11 : vector<1x64x10000xf32> to vector<64x10000xf32>
    %add3A_13 = arith.addf %get3A_7, %get3A_12 : vector<64x10000xf32>
    %get3A_14 = arith.constant 1 : index
    %get3A_15 = arith.constant 0 : index
    %get3A_16 = arith.constant 0 : index
    %get3A_17 = vector.load %arg1[%get3A_14, %get3A_15, %get3A_16] : memref<2x64x10000xf32, #tpu.memory_space<vmem>>, vector<1x64x10000xf32>
    %get3A_18 = vector.shape_cast %get3A_17 : vector<1x64x10000xf32> to vector<64x10000xf32>
    %add3A_19 = arith.addf %add3A_13, %get3A_18 : vector<64x10000xf32>
    %mul3A = vector.broadcast %rsqrt3A : vector<1x10000xf32> to vector<64x10000xf32>
    %mul3A_20 = arith.mulf %mul3A, %add3A_19 : vector<64x10000xf32>
    %get3A_21 = arith.constant 0 : index
    %get3A_22 = arith.constant 0 : index
    %get3A_23 = vector.load %arg3[%get3A_21, %get3A_22] : memref<64x1xf32, #tpu.memory_space<vmem>>, vector<64x1xf32>
    %add3A_24 = vector.broadcast %get3A_23 : vector<64x1xf32> to vector<64x10000xf32>
    %add3A_25 = arith.addf %mul3A_20, %add3A_24 : vector<64x10000xf32>
    %max3A = arith.constant 0.000000e+00 : f32
    %max3A_26 = vector.broadcast %max3A : f32 to vector<64x10000xf32>
    %max3A_27 = arith.maximumf %add3A_25, %max3A_26 : vector<64x10000xf32>
    %mul3A_28 = vector.broadcast %rsqrt3A : vector<1x10000xf32> to vector<64x10000xf32>
    %mul3A_29 = arith.mulf %mul3A_28, %max3A_27 : vector<64x10000xf32>
    %swap3A = arith.constant 0 : index
    %swap3A_30 = arith.constant 0 : index
    %swap3A_31 = vector.load %arg4[%swap3A, %swap3A_30] : memref<64x10000xf32, #tpu.memory_space<vmem>>, vector<64x10000xf32>
    tpu.vector_store %arg4[%swap3A, %swap3A_30], %mul3A_29 {strides = array<i32>} : memref<64x10000xf32, #tpu.memory_space<vmem>>, vector<64x10000xf32>,
    return
  }
}

module attributes {stable_mosaic.version = 14 : i64} {
  func.func @_tc_c_body(%arg0: memref<64x10000xf32, #tpu.memory_space<vmem>>, %arg1: memref<2x64x10000xf32, #tpu.memory_space<vmem>>, %arg2: memref<32x10000xf32, #tpu.memory_space<vmem>>, %arg3: memref<128x64xf32, #tpu.memory_space<vmem>>, %arg4: memref<128x1xf32, #tpu.memory_space<vmem>>, %arg5: memref<128x1xf32, #tpu.memory_space<vmem>>, %arg6: memref<1x1xf32, #tpu.memory_space<vmem>>, %arg7: memref<1x1xf32, #tpu.memory_space<vmem>>) attributes {dimension_semantics = [], scalar_prefetch = 0 : i64, scratch_operands = 0 : i64, tpu.core_type = #tpu.core_type<tc>} {
    %get3A = arith.constant 0 : index
    %get3A_0 = arith.constant 0 : index
    %get3A_1 = vector.load %arg2[%get3A, %get3A_0] : memref<32x10000xf32, #tpu.memory_space<vmem>>, vector<32x10000xf32>
    %reduce_sum3A = arith.constant dense<0.000000e+00> : vector<10000xf32>
    %reduce_sum3A_2 = vector.multi_reduction <add>, %get3A_1, %reduce_sum3A [0] : vector<32x10000xf32> to vector<10000xf32>
    %broadcast_in_dim3A = vector.shape_cast %reduce_sum3A_2 : vector<10000xf32> to vector<1x10000xf32>
    %add3A = arith.constant 1.000000e+00 : f32
    %add3A_3 = vector.broadcast %add3A : f32 to vector<1x10000xf32>
    %add3A_4 = arith.addf %broadcast_in_dim3A, %add3A_3 : vector<1x10000xf32>
    %rsqrt3A = math.rsqrt %add3A_4 : vector<1x10000xf32>
    %get3A_5 = arith.constant 0 : index
    %get3A_6 = arith.constant 0 : index
    %get3A_7 = vector.load %arg0[%get3A_5, %get3A_6] : memref<64x10000xf32, #tpu.memory_space<vmem>>, vector<64x10000xf32>
    %get3A_8 = arith.constant 0 : index
    %get3A_9 = arith.constant 0 : index
    %get3A_10 = arith.constant 0 : index
    %get3A_11 = vector.load %arg1[%get3A_8, %get3A_9, %get3A_10] : memref<2x64x10000xf32, #tpu.memory_space<vmem>>, vector<1x64x10000xf32>
    %get3A_12 = vector.shape_cast %get3A_11 : vector<1x64x10000xf32> to vector<64x10000xf32>
    %add3A_13 = arith.addf %get3A_7, %get3A_12 : vector<64x10000xf32>
    %get3A_14 = arith.constant 1 : index
    %get3A_15 = arith.constant 0 : index
    %get3A_16 = arith.constant 0 : index
    %get3A_17 = vector.load %arg1[%get3A_14, %get3A_15, %get3A_16] : memref<2x64x10000xf32, #tpu.memory_space<vmem>>, vector<1x64x10000xf32>
    %get3A_18 = vector.shape_cast %get3A_17 : vector<1x64x10000xf32> to vector<64x10000xf32>
    %add3A_19 = arith.addf %add3A_13, %get3A_18 : vector<64x10000xf32>
    %mul3A = vector.broadcast %rsqrt3A : vector<1x10000xf32> to vector<64x10000xf32>
    %mul3A_20 = arith.mulf %mul3A, %add3A_19 : vector<64x10000xf32>
    %get3A_21 = arith.constant 0 : index
    %get3A_22 = arith.constant 0 : index
    %get3A_23 = vector.load %arg3[%get3A_21, %get3A_22] : memref<128x64xf32, #tpu.memory_space<vmem>>, vector<128x64xf32>
    %dot_general3A = arith.constant dense<0.000000e+00> : vector<128x10000xf32>
    %dot_general3A_24 = tpu.matmul %get3A_23, %mul3A_20, %dot_general3A {dimension_numbers = #tpu.dot_dimension_numbers<[1], [0], [0], [1], [0, 0, 1, 1], [], []>, transpose_lhs_hint = false} : vector<128x64xf32>, vector<64x10000xf32>, vector<128x10000xf32> -> vector<128x10000xf32>
    %get3A_25 = arith.constant 0 : index
    %get3A_26 = arith.constant 0 : index
    %get3A_27 = vector.load %arg4[%get3A_25, %get3A_26] : memref<128x1xf32, #tpu.memory_space<vmem>>, vector<128x1xf32>
    %add3A_28 = vector.broadcast %get3A_27 : vector<128x1xf32> to vector<128x10000xf32>
    %add3A_29 = arith.addf %dot_general3A_24, %add3A_28 : vector<128x10000xf32>
    %max3A = arith.constant 0.000000e+00 : f32
    %max3A_30 = vector.broadcast %max3A : f32 to vector<128x10000xf32>
    %max3A_31 = arith.maximumf %add3A_29, %max3A_30 : vector<128x10000xf32>
    %reduce_sum3A_32 = arith.constant dense<0.000000e+00> : vector<128xf32>
    %reduce_sum3A_33 = vector.multi_reduction <add>, %max3A_31, %reduce_sum3A_32 [1] : vector<128x10000xf32> to vector<128xf32>
    %broadcast_in_dim3A_34 = vector.shape_cast %reduce_sum3A_33 : vector<128xf32> to vector<128x1xf32>
    %get3A_35 = arith.constant 0 : index
    %get3A_36 = arith.constant 0 : index
    %get3A_37 = vector.load %arg5[%get3A_35, %get3A_36] : memref<128x1xf32, #tpu.memory_space<vmem>>, vector<128x1xf32>
    %mul3A_38 = arith.mulf %broadcast_in_dim3A_34, %get3A_37 : vector<128x1xf32>
    %reduce_sum3A_39 = arith.constant dense<0.000000e+00> : vector<1xf32>
    %reduce_sum3A_40 = vector.multi_reduction <add>, %mul3A_38, %reduce_sum3A_39 [0] : vector<128x1xf32> to vector<1xf32>
    %broadcast_in_dim3A_41 = vector.shape_cast %reduce_sum3A_40 : vector<1xf32> to vector<1x1xf32>
    %div3A = arith.constant 1.000000e+04 : f32
    %div3A_42 = vector.broadcast %div3A : f32 to vector<1x1xf32>
    %div3A_43 = arith.divf %broadcast_in_dim3A_41, %div3A_42 : vector<1x1xf32>
    %get3A_44 = arith.constant 0 : index
    %get3A_45 = arith.constant 0 : index
    %get3A_46 = vector.load %arg6[%get3A_44, %get3A_45] : memref<1x1xf32, #tpu.memory_space<vmem>>, vector<1x1xf32>
    %add3A_47 = arith.addf %div3A_43, %get3A_46 : vector<1x1xf32>
    %swap3A = arith.constant 0 : index
    %swap3A_48 = arith.constant 0 : index
    %swap3A_49 = vector.load %arg7[%swap3A, %swap3A_48] : memref<1x1xf32, #tpu.memory_space<vmem>>, vector<1x1xf32>
    tpu.vector_store %arg7[%swap3A, %swap3A_48], %add3A_47 {strides = array<i32>} : memref<1x1xf32, #tpu.memory_space<vmem>>, vector<1x1xf32>,
    return
  }
}

</mosaic_0001>

<sc_bundles>
// kernel: kernel.11.cloned.1.call-start
scs
__scs_entry_jumppad:
0x0: {  	(pc) =	sbr.rel $0x88, $3  }
0x1: {  	(tag) =	ssettag $0x0;
	lr =	simm.s32 $0x1  }
0x2: {  	[smem:$0x3F99] =	sst lr;
	_ =	strace $0xD0000000  }
0x3: {  	_ = 	snop  }
0x4: {  	_ = 	snop  }
0x5: {  	_ = 	snop  }
0x6: {  	_ = 	snop  }
0x7: {  	_ = 	snop  }
__scs_overlays_trampoline_lowered:
0x8: {  	[smem:$0x3FA8] =	sst s0  }
0x9: {  	[smem:$0x3FA9] =	sst s1  }
0xa: {  	[smem:$0x3FAA] =	sst s2  }
0xb: {  	[smem:$0x3FAB] =	sst s3  }
0xc: {  	[smem:$0x3FAC] =	sst s4  }
0xd: {  	[smem:$0x3FAD] =	sst s5  }
0xe: {  	[smem:$0x3FAE] =	sst s6  }
0xf: {  	[smem:$0x3FAF] =	sst s7  }
0x10: {  	[smem:$0x3FB0] =	sst s8  }
0x11: {  	[smem:$0x3FB1] =	sst s9;
	s0 =	simm.s32 @!p0 $0x0  }
0x12: {  	s1 =	sld [smem:$0x3F97];
	s0 =	simm.s32 @p0 $0x1  }
0x13: {  	[smem:$0x3FB2] =	sst s0;
	s0 =	simm.s32 @!p1 $0x0  }
0x14: {  	s2 =	sld [smem:$0x3F96];
	s0 =	simm.s32 @p1 $0x1  }
0x15: {  	[smem:$0x3FB3] =	sst s0;
	s0 =	simm.s32 @!p2 $0x0  }
0x16: {  	s3 =	sld [smem:$0x3FDB];
	s0 =	simm.s32 @p2 $0x1  }
0x17: {  	s4 =	simm.s32 $0x1BF5;
	[smem:$0x3FB5] =	sst s0  }
0x18: {  	s0 =	sld [smem:$0x3F98];
	_ =	swait.ge [sflag:s4], $0x0  }
0x19: {  	s7 =	sld [smem:$0x3F99]  }
0x1a: {  	s8 =	sadd.s32 $0xFFFFE003, lr  }
0x1b: {  	s9 =	sadd.s32 $0xFFFFFEF7, lr;
	s5 =	simm.s32 $0xFFFFFFFF;
	p2 =	slt.u32 s8, $0xFFFFF086  }
0x1c: {  	p1 =	slt.u32 s9, $0xF7A;
	s5 =	simm.s32 @!p2 $0x0  }
0x1d: {  	s5 =	simm.s32 @p1 $0x1;
	p0 =	seq.s32 s7, s2  }
0x1e: {  	s7 =	smul.u32 @!p0 $0xF7A, s2;
	p2 =	seq.s32 @!p0 s5, $0x0  }
0x1f: {  	s9 =	smul.u32 $0xF7A, s1;
	s8 =	simm.s32 @!p0 $0x1BF5;
	p2 =	por !p2, p0  }
0x20: {  	[sflag:s8] =	ssyncset.s32 @!p0 $0xFFFFF086;
	s6 =	sadd.s32 @!p0 s3, s7;
	s7 =	simm.s32 @!p0 $0x108  }
0x21: {  	s3 =	sadd.s32 s3, s9;
	s6 =	sadd.s32 @!p0 $0x88, s6;
	s7 =	simm.s32 @p2 $0x1082  }
0x22: {  	[simem:s7], [sflag:s8] =	dma.local @!p0 [hbm:s6], $0xF7A  }
0x23: {  	s9 =	sor.u32 $0xD0000000, s2;
	s6 =	simm.s32 $0x108;
	_ =	swait.ge @!p0 [sflag:s8], $0x0  }
0x24: {  	s3 =	sadd.s32 $0x88, s3;
	s6 =	simm.s32 @!p1 $0x1082;
	[sflag:s4] =	ssyncset.s32 $0xFFFFF086  }
0x25: {  	[simem:s6], [sflag:s4] =	dma.local [hbm:s3], $0xF7A  }
0x26: {  	[smem:$0x3F99] =	sst s1;
	(tag) =	ssettag s2;
	_ =	strace s9  }
0x27: {  	s1 =	sld [smem:$0x3FA9]  }
0x28: {  	s2 =	sld [smem:$0x3FAA]  }
0x29: {  	s4 =	sld [smem:$0x3FAC]  }
0x2a: {  	p0 =	seq.s32 s5, $0x0;
	s5 =	sld [smem:$0x3FAD]  }
0x2b: {  	s6 =	sld [smem:$0x3FAE]  }
0x2c: {  	s7 =	sld [smem:$0x3FAF]  }
0x2d: {  	s3 =	simm.s32 $0x108;
	s8 =	sld [smem:$0x3FB0]  }
0x2e: {  	s3 =	simm.s32 @!p0 $0x1082;
	s9 =	sld [smem:$0x3FB1]  }
0x2f: {  	lr =	sadd.s32 s0, s3;
	s0 =	sld [smem:$0x3FA8]  }
0x30: {  	s3 =	sld [smem:$0x3FAB]  }
0x31: {  	[smem:$0x3FB4] =	sst s10  }
0x32: {  	s10 =	sld [smem:$0x3FB2];
	_ =	sdelay $0x3  }
0x33: {  	p0 =	seq.s32 s10, $0x1;
	s10 =	sld [smem:$0x3FB4];
	_ =	sdelay $0x3  }
0x34: {  	[smem:$0x3FB4] =	sst s10  }
0x35: {  	s10 =	sld [smem:$0x3FB3];
	_ =	sdelay $0x3  }
0x36: {  	p1 =	seq.s32 s10, $0x1;
	s10 =	sld [smem:$0x3FB4];
	_ =	sdelay $0x3  }
0x37: {  	[smem:$0x3FB4] =	sst s10  }
0x38: {  	s10 =	sld [smem:$0x3FB5]  }
0x39: {  	_ = 	snop;
	(pc) =	sbr.ind lr, $3  }
0x3a: {  	_ = 	snop  }
0x3b: {  	_ = 	snop  }
0x3c: {  	p2 =	seq.s32 s10, $0x1;
	s10 =	sld [smem:$0x3FB4]  }
0x3d: {  	_ =	shalt  }
0x3e: {  	_ =	shalt  }
0x3f: {  	_ =	shalt  }
0x40: {  	_ =	shalt  }
0x41: {  	_ =	shalt  }
0x42: {  	_ =	shalt  }
0x43: {  	_ =	shalt  }
0x44: {  	_ =	shalt  }
0x45: {  	_ =	shalt  }
0x46: {  	_ =	shalt  }
0x47: {  	_ =	shalt  }
0x48: {  	_ =	shalt  }
0x49: {  	_ =	shalt  }
0x4a: {  	_ =	shalt  }
0x4b: {  	_ =	shalt  }
0x4c: {  	_ =	shalt  }
0x4d: {  	_ =	shalt  }
0x4e: {  	_ =	shalt  }
0x4f: {  	_ =	shalt  }
0x50: {  	_ =	shalt  }
0x51: {  	_ =	shalt  }
0x52: {  	_ =	shalt  }
0x53: {  	_ =	shalt  }
0x54: {  	_ =	shalt  }
0x55: {  	_ =	shalt  }
0x56: {  	_ =	shalt  }
0x57: {  	_ =	shalt  }
0x58: {  	_ =	shalt  }
0x59: {  	_ =	shalt  }
0x5a: {  	_ =	shalt  }
0x5b: {  	_ =	shalt  }
0x5c: {  	_ =	shalt  }
0x5d: {  	_ =	shalt  }
0x5e: {  	_ =	shalt  }
0x5f: {  	_ =	shalt  }
0x60: {  	_ =	shalt  }
0x61: {  	_ =	shalt  }
0x62: {  	_ =	shalt  }
0x63: {  	_ =	shalt  }
0x64: {  	_ =	shalt  }
0x65: {  	_ =	shalt  }
0x66: {  	_ =	shalt  }
0x67: {  	_ =	shalt  }
0x68: {  	_ =	shalt  }
0x69: {  	_ =	shalt  }
0x6a: {  	_ =	shalt  }
0x6b: {  	_ =	shalt  }
0x6c: {  	_ =	shalt  }
0x6d: {  	_ =	shalt  }
0x6e: {  	_ =	shalt  }
0x6f: {  	_ =	shalt  }
0x70: {  	_ =	shalt  }
0x71: {  	_ =	shalt  }
0x72: {  	_ =	shalt  }
0x73: {  	_ =	shalt  }
0x74: {  	_ =	shalt  }
0x75: {  	_ =	shalt  }
0x76: {  	_ =	shalt  }
0x77: {  	_ =	shalt  }
0x78: {  	_ =	shalt  }
0x79: {  	_ =	shalt  }
0x7a: {  	_ =	shalt  }
0x7b: {  	_ =	shalt  }
0x7c: {  	_ =	shalt  }
0x7d: {  	_ =	shalt  }
0x7e: {  	_ =	shalt  }
0x7f: {  	_ =	shalt  }
0x80: {  	_ =	shalt  }
0x81: {  	_ =	shalt  }
0x82: {  	_ =	shalt  }
0x83: {  	_ =	shalt  }
0x84: {  	_ =	shalt  }
0x85: {  	_ =	shalt  }
0x86: {  	_ =	shalt  }
0x87: {  	_ =	shalt  }
.Lfunc_end0:
.L_simem_size_0:
called_computation.1_lowered:
.L_overlay_start_0:
0x88: {  	s2 =	sld [smem:$0x3FD9]  }
0x89: {  	s3 =	sld [smem:$0x3FFE];
	_ =	sdelay $0x1  }
0x8a: {  	s1 =	srdreg.scid  }
0x8b: {  	s0 =	sand.u32 $0x1, s1  }
0x8c: {  	s16 =	sshll.u32 s0, $0xA;
	s2 =	sadd.s32 s3, s2  }
0x8d: {  	s2 =	sadd.s32 s2, s16  }
0x8e: {  	[smem:$0x3FC0] =	sst s2  }
0x8f: {  	_ = 	snop  }
0x90: {  	(tm) =	ssettm $0x1  }
0x91: {  	s17 =	sld [smem:$0x3FFB];
	_ =	sdelay $0x3  }
0x92: {  	_ =	strace s17  }
0x93: {  	s2 =	sld [smem:$0x3FFC];
	_ =	sdelay $0x3  }
0x94: {  	_ =	strace s2  }
0x95: {  	s2 =	sld [smem:$0x3FFD];
	_ =	sdelay $0x3  }
0x96: {  	_ =	strace s2  }
0x97: {  	_ =	strace $0x8FFFFFFF  }
0x98: {  	s18 =	sld [smem:$0x3FDB];
	_ =	sdelay $0x1  }
0x99: {  	s19 =	simm.s32 $_scs_section_size  }
0x9a: {  	s4 =	simm.s32 $_size__tile_overlayer_lowered;
	s5 =	simm.s32 $_tile_overlayer_lowered  }
0x9b: {  	s22 =	simm.s32 $0x1BFF;
	s21 =	sshll.u32 s5, $0x1;
	s2 =	sadd.s32 s19, s18  }
0x9c: {  	s6 =	simm.s32 $0x0;
	s20 =	sshll.u32 s4, $0x1;
	s4 =	sadd.s32 s21, s2  }
0x9d: {  	[timem:s6], [sflag:s22] =	dma.local [hbm:s4], s20  }
0x9e: {  	_ =	swait.ge [sflag:s22], s20  }
0x9f: {  	s3 =	ssub.s32 $0x0, s20;
	[sflag:s22] =	ssyncset.done $0x0  }
0xa0: {  	[sflag:s22] =	ssyncadd.s32 s3;
	_ =	sdelay $0x1  }
0xa1: {  	s23 =	simm.s32 $0x1B8B  }
0xa2: {  	_ =	swait.ge [sflag:s23], $0x1  }
0xa3: {  	[sflag:s23] =	ssyncset.done $0x0  }
0xa4: {  	s25 =	simm.s32 $0x1B8E;
	s24 =	sld [smem:$0x3FFE];
	[sflag:s23] =	ssyncadd.s32 $0xFFFFFFFF  }
0xa5: {  	s26 =	simm.s32 $execute0_lowered;
	[smem:$0x3FD2] =	sst s25  }
0xa6: {  	s4 =	sshll.u32 s26, $0x1;
	_ =	strace $0x80000049;
	[dreg:$0x1] =	wrdreg $0xFFFFFFFF  }
0xa7: {  	s28 =	simm.s32 $_size_execute0_lowered;
	s2 =	sadd.s32 s2, s4;
	[dreg:$0x0] =	wrdreg $0x0  }
0xa8: {  	s4 =	sshll.u32 s28, $0x1;
	[dreg:$0x2] =	wrdreg s2  }
0xa9: {  	[dreg:$0x3] =	wrdreg s4  }
0xaa: {  	[dreg:$0x4] =	wrdreg $0xC0  }
0xab: {  	_ =	task [dreg:s6], $0x5FFFF  }
0xac: {  	[dreg:$0x1] =	wrdreg $0xFFFFFFFF  }
0xad: {  	[dreg:$0x0] =	wrdreg $0x60  }
0xae: {  	[dreg:$0x2] =	wrdreg s24  }
0xaf: {  	[dreg:$0x3] =	wrdreg $0x9  }
0xb0: {  	_ =	task.clear_ibuf [dreg:s6], $0x4FFFF;
	_ =	strace $0x90000049  }
0xb1: {  	s29 =	simm.s32 $0x9;
	_ =	strace $0x8000004B  }
0xb2: {  	_ =	swait.ge [sflag:s29], $0x1  }
0xb3: {  	[sflag:s29] =	ssyncadd.s32 $0xFFFFFFFF  }
0xb4: {  	_ =	strace $0x9000004B  }
0xb5: {  	_ =	sfence  }
0xb6: {  	s30 =	sld [smem:$0x0];
	_ =	sdelay $0x2  }
0xb7: {  	s31 =	sshll.u32 s1, $0xD;
	s1 =	sshrl.u32 s1, $0x2  }
0xb8: {  	s3 =	sand.u32 $0x4000, s31;
	s1 =	sadd.s32 s1, s30  }
0xb9: {  	s0 =	sor.u32 s3, s0;
	s1 =	sshll.u32 s1, $0x11  }
0xba: {  	s0 =	sor.u32 s1, s0  }
0xbb: {  	s0 =	sadd.s32 $0x8F2B, s0  }
0xbc: {  	[sflag:s0] =	ssyncadd.remote.s32 $0x1  }
0xbd: {  	_ =	sfence.sel $0xFFFF  }
0xbe: {  	[dreg:$0x0] =	wrdreg $0xFFFFFFFF;
	(pc) =	sbr.abs _section_cstart, $3  }
0xbf: {  	[dreg:$0x1] =	wrdreg $0xFFFFFFFF  }
0xc0: {  	_ =	task.clear_ibuf [dreg:s6], $0x2FFFF;
	_ =	strace $0x9FFFFFFF  }
0xc1: {  	(tm) =	ssettm $0x7FFFFFFF  }
tec
execute0_lowered:
.L_overlay_start_1:
0x0: {  	(tag) =	ssettag $0x1  }
0x1: {  	s3 =	rddreg [dreg:$0x0]  }
0x2: {  	s2 =	simm.s32 $0x0;
	s0 =	srdreg.scid;
	s1 =	stileid.u32  }
0x3: {  	[smem:$0x7FF] =	sst s2;
	s0 =	sand.u32 $0x1, s0;
	s5 =	sshrl.u32 s1, $0x1  }
0x4: {  	s6 =	sshll.u32 s1, $0x9;
	s7 =	sadd.s32 $0xC600, s3;
	s4 =	smul.u32 $0x27100, s0  }
0x5: {  	_ =	strace $0x8000004A;
	s5 =	smul.u32 $0x13C00, s5;
	s20 =	sand.u32 $0x200, s6  }
0x6: {  	s12 =	smul.u32 $0x9E000, s0;
	s8 =	sor.u32 $0x80, s20;
	s23 =	sor.u32 $0x100, s20  }
0x7: {  	s11 =	sor.u32 $0x180, s20;
	s4 =	sshrl.u32 s4, $0x3;
	s6 =	sor.u32 s20, s5  }
0x8: {  	s10 =	sor.u32 s5, s8;
	s24 =	sor.u32 s5, s23;
	s1 =	sor.u32 s5, s11  }
0x9: {  	s5 =	sadd.s32 s12, s5;
	s26 =	sadd.s32 s4, s3;
	s3 =	sadd.s32 $0x20200, s3  }
0xa: {  	s6 =	sshrl.u32 s6, $0x3;
	s21 =	sshrl.u32 s10, $0x3;
	s9 =	sadd.s32 $0x2800, s26  }
0xb: {  	s25 =	sshrl.u32 s24, $0x3;
	s6 =	sadd.s32 s7, s6;
	[dreg:$0x2] =	wrdreg s9  }
0xc: {  	s10 =	sshrl.u32 s1, $0x3;
	s22 =	sadd.s32 s7, s21;
	[dreg:$0x3] =	wrdreg s6  }
0xd: {  	s4 =	sor.u32 s20, s5;
	s10 =	sadd.s32 s7, s10;
	[dreg:$0x4] =	wrdreg s22  }
0xe: {  	s13 =	sor.u32 s23, s5;
	s23 =	sadd.s32 $0x2CE2, s26;
	[dreg:$0x6] =	wrdreg s10  }
0xf: {  	s4 =	sshrl.u32 s4, $0x3;
	s6 =	sadd.s32 s7, s25;
	[dreg:$0xb] =	wrdreg s23  }
0x10: {  	s15 =	sshrl.u32 s13, $0x3;
	s4 =	sadd.s32 s3, s4;
	[dreg:$0x5] =	wrdreg s6  }
0x11: {  	s16 =	sadd.s32 s3, s15;
	[dreg:$0x7] =	wrdreg s4  }
0x12: {  	s12 =	sor.u32 s8, s5;
	s5 =	sor.u32 s11, s5;
	[dreg:$0x9] =	wrdreg s16  }
0x13: {  	s17 =	sshrl.u32 s5, $0x3;
	s6 =	sshrl.u32 s12, $0x3;
	s18 =	rddreg [dreg:$0x2]  }
0x14: {  	s19 =	rddreg [dreg:$0x3];
	s14 =	sadd.s32 s3, s6;
	s3 =	sadd.s32 s3, s17  }
0x15: {  	[dreg:$0xa] =	wrdreg s3;
	s3 =	simm.s32 $0x13C00  }
0x16: {  	[tilespmem:s3], [sflag:$0x1] =	stream.linear.gather [hbm4b:s18+s2], $0x2710, $0x38;
	[tilespmem:$0x18B00] =	vst v63  }
0x17: {  	s5 =	simm.s32 $0x400;
	s4 =	simm.s32 $0x80;
	s20 =	rddreg [dreg:$0x4]  }
0x18: {  	[tilespmem:s2], [sflag:$0x3] =	stream.strided.gather [hbm4b:s19+s4], $0x2780, s5, s4, $0x38;
	[tilespmem:$0x18B00] =	vst v63  }
0x19: {  	s21 =	simm.s32 $0x2780;
	s25 =	rddreg [dreg:$0x6]  }
0x1a: {  	[tilespmem:s21], [sflag:$0x3] =	stream.strided.gather [hbm4b:s20+s4], $0x2780, s5, s4, $0x38;
	[tilespmem:$0x18B00] =	vst v63  }
0x1b: {  	s24 =	simm.s32 $0x4F00;
	s22 =	rddreg [dreg:$0x5]  }
0x1c: {  	[tilespmem:s24], [sflag:$0x3] =	stream.strided.gather [hbm4b:s22+s4], $0x2780, s5, s4, $0x38;
	[tilespmem:$0x18B00] =	vst v63  }
0x1d: {  	s8 =	simm.s32 $0x3;
	s9 =	simm.s32 $0x7680;
	[dreg:$0x8] =	wrdreg s14  }
0x1e: {  	[tilespmem:s9], [sflag:$0x3] =	stream.strided.gather [hbm4b:s25+s4], $0x2780, s5, s4, $0x38;
	[tilespmem:$0x18B00] =	vst v63  }
0x1f: {  	_ =	swait.ge [sflag:s8], $0x2780  }
0x20: {  	[sflag:s8] =	ssyncset.done $0x0  }
0x21: {  	[sflag:s8] =	ssyncadd.s32 $0xFFFFD880  }
0x22: {  	_ =	swait.ge [sflag:s8], $0x2780  }
0x23: {  	[sflag:s8] =	ssyncset.done $0x0  }
0x24: {  	[sflag:s8] =	ssyncadd.s32 $0xFFFFD880  }
0x25: {  	_ =	swait.ge [sflag:s8], $0x2780  }
0x26: {  	[sflag:s8] =	ssyncset.done $0x0  }
0x27: {  	[sflag:s8] =	ssyncadd.s32 $0xFFFFD880  }
0x28: {  	_ =	swait.ge [sflag:s8], $0x2780  }
0x29: {  	[sflag:s8] =	ssyncset.done $0x0  }
0x2a: {  	s10 =	simm.s32 $0x1;
	[sflag:s8] =	ssyncadd.s32 $0xFFFFD880  }
0x2b: {  	_ =	swait.ge [sflag:s10], $0x2710  }
0x2c: {  	s11 =	simm.s32 $0x16380;
	[sflag:s10] =	ssyncset.done $0x0  }
0x2d: {  	s12 =	simm.s32 $0x2;
	s13 =	rddreg [dreg:$0xb];
	[sflag:s10] =	ssyncadd.s32 $0xFFFFD8F0  }
0x2e: {  	[tilespmem:s11], [sflag:$0x2] =	stream.linear.gather [hbm4b:s13+s2], $0x2710, $0x38;
	[tilespmem:$0x18B00] =	vst v63  }
0x2f: {  	_ =	swait.ge [sflag:s12], $0x2710  }
0x30: {  	[sflag:s12] =	ssyncset.done $0x0  }
0x31: {  	s13 =	sadd.s32 $0x31C4, s26;
	[sflag:s12] =	ssyncadd.s32 $0xFFFFD8F0  }
0x32: {  	[tilespmem:s3], [sflag:$0x1] =	stream.linear.gather [hbm4b:s13+s2], $0x2710, $0x38;
	[tilespmem:$0x18B00] =	vst v63  }
0x33: {  	_ =	swait.ge [sflag:s10], $0x2710  }
0x34: {  	[sflag:s10] =	ssyncset.done $0x0  }
0x35: {  	s14 =	sadd.s32 $0x36A6, s26;
	[sflag:s10] =	ssyncadd.s32 $0xFFFFD8F0  }
0x36: {  	[tilespmem:s11], [sflag:$0x2] =	stream.linear.gather [hbm4b:s14+s2], $0x2710, $0x38;
	[tilespmem:$0x18B00] =	vst v63  }
0x37: {  	_ =	swait.ge [sflag:s12], $0x2710  }
0x38: {  	[sflag:s12] =	ssyncset.done $0x0  }
0x39: {  	s15 =	sadd.s32 $0x3B88, s26;
	[sflag:s12] =	ssyncadd.s32 $0xFFFFD8F0  }
0x3a: {  	[tilespmem:s3], [sflag:$0x1] =	stream.linear.gather [hbm4b:s15+s2], $0x2710, $0x38;
	[tilespmem:$0x18B00] =	vst v63  }
0x3b: {  	_ =	swait.ge [sflag:s10], $0x2710  }
0x3c: {  	[sflag:s10] =	ssyncset.done $0x0  }
0x3d: {  	s16 =	sadd.s32 $0x406A, s26;
	[sflag:s10] =	ssyncadd.s32 $0xFFFFD8F0  }
0x3e: {  	[tilespmem:s11], [sflag:$0x2] =	stream.linear.gather [hbm4b:s16+s2], $0x2710, $0x38;
	[tilespmem:$0x18B00] =	vst v63  }
0x3f: {  	_ =	swait.ge [sflag:s12], $0x2710  }
0x40: {  	[sflag:s12] =	ssyncset.done $0x0  }
0x41: {  	s17 =	sadd.s32 $0x454C, s26;
	[sflag:s12] =	ssyncadd.s32 $0xFFFFD8F0  }
0x42: {  	[tilespmem:s3], [sflag:$0x1] =	stream.linear.gather [hbm4b:s17+s2], $0x2710, $0x38;
	[tilespmem:$0x18B00] =	vst v63  }
0x43: {  	_ =	swait.ge [sflag:s10], $0x2710  }
0x44: {  	[sflag:s10] =	ssyncset.done $0x0  }
0x45: {  	s18 =	sadd.s32 $0x4A2E, s26;
	[sflag:s10] =	ssyncadd.s32 $0xFFFFD8F0  }
0x46: {  	[tilespmem:s11], [sflag:$0x2] =	stream.linear.gather [hbm4b:s18+s2], $0x2710, $0x38;
	[tilespmem:$0x18B00] =	vst v63  }
0x47: {  	_ =	swait.ge [sflag:s12], $0x2710  }
0x48: {  	[sflag:s12] =	ssyncset.done $0x0  }
0x49: {  	s19 =	sadd.s32 $0x4F10, s26;
	[sflag:s12] =	ssyncadd.s32 $0xFFFFD8F0  }
0x4a: {  	[tilespmem:s3], [sflag:$0x1] =	stream.linear.gather [hbm4b:s19+s2], $0x2710, $0x38;
	[tilespmem:$0x18B00] =	vst v63  }
0x4b: {  	_ =	swait.ge [sflag:s10], $0x2710  }
0x4c: {  	[sflag:s10] =	ssyncset.done $0x0  }
0x4d: {  	s20 =	sadd.s32 $0x53F2, s26;
	[sflag:s10] =	ssyncadd.s32 $0xFFFFD8F0  }
0x4e: {  	[tilespmem:s11], [sflag:$0x2] =	stream.linear.gather [hbm4b:s20+s2], $0x2710, $0x38;
	[tilespmem:$0x18B00] =	vst v63  }
0x4f: {  	_ =	swait.ge [sflag:s12], $0x2710  }
0x50: {  	[sflag:s12] =	ssyncset.done $0x0  }
0x51: {  	s21 =	sadd.s32 $0x58D4, s26;
	[sflag:s12] =	ssyncadd.s32 $0xFFFFD8F0  }
0x52: {  	[tilespmem:s3], [sflag:$0x1] =	stream.linear.gather [hbm4b:s21+s2], $0x2710, $0x38;
	[tilespmem:$0x18B00] =	vst v63  }
0x53: {  	_ =	swait.ge [sflag:s10], $0x2710  }
0x54: {  	[sflag:s10] =	ssyncset.done $0x0  }
0x55: {  	s22 =	sadd.s32 $0x5DB6, s26;
	[sflag:s10] =	ssyncadd.s32 $0xFFFFD8F0  }
0x56: {  	[tilespmem:s11], [sflag:$0x2] =	stream.linear.gather [hbm4b:s22+s2], $0x2710, $0x38;
	[tilespmem:$0x18B00] =	vst v63  }
0x57: {  	_ =	swait.ge [sflag:s12], $0x2710  }
0x58: {  	[sflag:s12] =	ssyncset.done $0x0  }
0x59: {  	s23 =	sadd.s32 $0x6298, s26;
	[sflag:s12] =	ssyncadd.s32 $0xFFFFD8F0  }
0x5a: {  	[tilespmem:s3], [sflag:$0x1] =	stream.linear.gather [hbm4b:s23+s2], $0x2710, $0x38;
	[tilespmem:$0x18B00] =	vst v63  }
0x5b: {  	_ =	swait.ge [sflag:s10], $0x2710  }
0x5c: {  	[sflag:s10] =	ssyncset.done $0x0  }
0x5d: {  	s24 =	sadd.s32 $0x677A, s26;
	[sflag:s10] =	ssyncadd.s32 $0xFFFFD8F0  }
0x5e: {  	[tilespmem:s11], [sflag:$0x2] =	stream.linear.gather [hbm4b:s24+s2], $0x2710, $0x38;
	[tilespmem:$0x18B00] =	vst v63  }
0x5f: {  	_ =	swait.ge [sflag:s12], $0x2710  }
0x60: {  	[sflag:s12] =	ssyncset.done $0x0  }
0x61: {  	s25 =	sadd.s32 $0x6C5C, s26;
	[sflag:s12] =	ssyncadd.s32 $0xFFFFD8F0  }
0x62: {  	[tilespmem:s3], [sflag:$0x1] =	stream.linear.gather [hbm4b:s25+s2], $0x2710, $0x38;
	[tilespmem:$0x18B00] =	vst v63  }
0x63: {  	_ =	swait.ge [sflag:s10], $0x2710  }
0x64: {  	[sflag:s10] =	ssyncset.done $0x0  }
0x65: {  	s26 =	sadd.s32 $0x713E, s26;
	[sflag:s10] =	ssyncadd.s32 $0xFFFFD8F0  }
0x66: {  	[tilespmem:s11], [sflag:$0x2] =	stream.linear.gather [hbm4b:s26+s2], $0x2710, $0x38;
	[tilespmem:$0x18B00] =	vst v63  }
0x67: {  	_ =	swait.ge [sflag:s12], $0x2710  }
0x68: {  	[sflag:s12] =	ssyncset.done $0x0  }
0x69: {  	s28 =	simm.s32 $0x9E00;
	s29 =	rddreg [dreg:$0x7];
	[sflag:s12] =	ssyncadd.s32 $0xFFFFD8F0  }
0x6a: {  	[hbm4b:s29+s4] =	stream.strided.scatter [tilespmem:s28], [sflag:$0x3], $0x2780, s5, s4, $0x38;
	[tilespmem:$0x18B00] =	vst v63  }
0x6b: {  	s30 =	rddreg [dreg:$0x8];
	s29 =	simm.s32 $0xC580  }
0x6c: {  	[hbm4b:s30+s4] =	stream.strided.scatter [tilespmem:s29], [sflag:$0x3], $0x2780, s5, s4, $0x38;
	[tilespmem:$0x18B00] =	vst v63  }
0x6d: {  	s31 =	rddreg [dreg:$0x9];
	s30 =	simm.s32 $0xED00  }
0x6e: {  	[hbm4b:s31+s4] =	stream.strided.scatter [tilespmem:s30], [sflag:$0x3], $0x2780, s5, s4, $0x38;
	[tilespmem:$0x18B00] =	vst v63  }
0x6f: {  	s6 =	rddreg [dreg:$0xa];
	s31 =	simm.s32 $0x11480  }
0x70: {  	[hbm4b:s6+s4] =	stream.strided.scatter [tilespmem:s31], [sflag:$0x3], $0x2780, s5, s4, $0x38;
	[tilespmem:$0x18B00] =	vst v63  }
0x71: {  	s0 =	ssub.s32 $0x2, s0;
	_ =	swait.ge [sflag:s8], $0x2780  }
0x72: {  	s7 =	sshrl.u32 s0, $0x1;
	[sflag:s8] =	ssyncset.done $0x0  }
0x73: {  	s0 =	ssub.s32 s0, s7;
	[sflag:s8] =	ssyncadd.s32 $0xFFFFD880  }
0x74: {  	s0 =	smax.u32 s0, $0x1;
	_ =	swait.ge [sflag:s8], $0x2780  }
0x75: {  	p0 =	sne.s32 s0, $0x1;
	[sflag:s8] =	ssyncset.done $0x0  }
.Ltmp0:
0x76: {  	[sflag:s8] =	ssyncadd.s32 $0xFFFFD880;
	(pc) =	sbr.rel @!p0 .LBB2_2-.Ltmp0, $4  }
0x77: {  	_ =	swait.ge [sflag:s8], $0x2780  }
0x78: {  	[sflag:s8] =	ssyncset.done $0x0  }
0x79: {  	[sflag:s8] =	ssyncadd.s32 $0xFFFFD880  }
0x7a: {  	s0 =	sadd.s32 $0xFFFFFFFF, s0;
	_ =	swait.ge [sflag:s8], $0x2780  }
.LBB2_1:
0x7b: {  	[sflag:s8] =	ssyncset.done $0x0  }
0x7c: {  	s1 =	rddreg [dreg:$0x2];
	[sflag:s8] =	ssyncadd.s32 $0xFFFFD880  }
0x7d: {  	[tilespmem:s3], [sflag:$0x1] =	stream.linear.gather [hbm4b:s1+s2], $0x2710, $0x38;
	[tilespmem:$0x18B00] =	vst v63  }
0x7e: {  	s6 =	rddreg [dreg:$0x3]  }
0x7f: {  	[tilespmem:s2], [sflag:$0x3] =	stream.strided.gather [hbm4b:s6+s4], $0x2780, s5, s4, $0x38;
	[tilespmem:$0x18B00] =	vst v63  }
0x80: {  	s7 =	simm.s32 $0x2780;
	s1 =	rddreg [dreg:$0x4]  }
0x81: {  	[tilespmem:s7], [sflag:$0x3] =	stream.strided.gather [hbm4b:s1+s4], $0x2780, s5, s4, $0x38;
	[tilespmem:$0x18B00] =	vst v63  }
0x82: {  	s6 =	rddreg [dreg:$0x5];
	s7 =	simm.s32 $0x4F00  }
0x83: {  	[tilespmem:s7], [sflag:$0x3] =	stream.strided.gather [hbm4b:s6+s4], $0x2780, s5, s4, $0x38;
	[tilespmem:$0x18B00] =	vst v63  }
0x84: {  	s1 =	rddreg [dreg:$0x6]  }
0x85: {  	[tilespmem:s9], [sflag:$0x3] =	stream.strided.gather [hbm4b:s1+s4], $0x2780, s5, s4, $0x38;
	[tilespmem:$0x18B00] =	vst v63  }
0x86: {  	_ =	swait.ge [sflag:s8], $0x2780  }
0x87: {  	[sflag:s8] =	ssyncset.done $0x0  }
0x88: {  	[sflag:s8] =	ssyncadd.s32 $0xFFFFD880  }
0x89: {  	_ =	swait.ge [sflag:s8], $0x2780  }
0x8a: {  	[sflag:s8] =	ssyncset.done $0x0  }
0x8b: {  	[sflag:s8] =	ssyncadd.s32 $0xFFFFD880  }
0x8c: {  	_ =	swait.ge [sflag:s8], $0x2780  }
0x8d: {  	[sflag:s8] =	ssyncset.done $0x0  }
0x8e: {  	[sflag:s8] =	ssyncadd.s32 $0xFFFFD880  }
0x8f: {  	_ =	swait.ge [sflag:s8], $0x2780  }
0x90: {  	[sflag:s8] =	ssyncset.done $0x0  }
0x91: {  	[sflag:s8] =	ssyncadd.s32 $0xFFFFD880  }
0x92: {  	_ =	swait.ge [sflag:s10], $0x2710  }
0x93: {  	[sflag:s10] =	ssyncset.done $0x0  }
0x94: {  	s7 =	rddreg [dreg:$0xb];
	[sflag:s10] =	ssyncadd.s32 $0xFFFFD8F0  }
0x95: {  	[tilespmem:s11], [sflag:$0x2] =	stream.linear.gather [hbm4b:s7+s2], $0x2710, $0x38;
	[tilespmem:$0x18B00] =	vst v63  }
0x96: {  	_ =	swait.ge [sflag:s12], $0x2710  }
0x97: {  	[sflag:s12] =	ssyncset.done $0x0  }
0x98: {  	[sflag:s12] =	ssyncadd.s32 $0xFFFFD8F0  }
0x99: {  	[tilespmem:s3], [sflag:$0x1] =	stream.linear.gather [hbm4b:s13+s2], $0x2710, $0x38;
	[tilespmem:$0x18B00] =	vst v63  }
0x9a: {  	_ =	swait.ge [sflag:s10], $0x2710  }
0x9b: {  	[sflag:s10] =	ssyncset.done $0x0  }
0x9c: {  	[sflag:s10] =	ssyncadd.s32 $0xFFFFD8F0  }
0x9d: {  	[tilespmem:s11], [sflag:$0x2] =	stream.linear.gather [hbm4b:s14+s2], $0x2710, $0x38;
	[tilespmem:$0x18B00] =	vst v63  }
0x9e: {  	_ =	swait.ge [sflag:s12], $0x2710  }
0x9f: {  	[sflag:s12] =	ssyncset.done $0x0  }
0xa0: {  	[sflag:s12] =	ssyncadd.s32 $0xFFFFD8F0  }
0xa1: {  	[tilespmem:s3], [sflag:$0x1] =	stream.linear.gather [hbm4b:s15+s2], $0x2710, $0x38;
	[tilespmem:$0x18B00] =	vst v63  }
0xa2: {  	_ =	swait.ge [sflag:s10], $0x2710  }
0xa3: {  	[sflag:s10] =	ssyncset.done $0x0  }
0xa4: {  	[sflag:s10] =	ssyncadd.s32 $0xFFFFD8F0  }
0xa5: {  	[tilespmem:s11], [sflag:$0x2] =	stream.linear.gather [hbm4b:s16+s2], $0x2710, $0x38;
	[tilespmem:$0x18B00] =	vst v63  }
0xa6: {  	_ =	swait.ge [sflag:s12], $0x2710  }
0xa7: {  	[sflag:s12] =	ssyncset.done $0x0  }
0xa8: {  	[sflag:s12] =	ssyncadd.s32 $0xFFFFD8F0  }
0xa9: {  	[tilespmem:s3], [sflag:$0x1] =	stream.linear.gather [hbm4b:s17+s2], $0x2710, $0x38;
	[tilespmem:$0x18B00] =	vst v63  }
0xaa: {  	_ =	swait.ge [sflag:s10], $0x2710  }
0xab: {  	[sflag:s10] =	ssyncset.done $0x0  }
0xac: {  	[sflag:s10] =	ssyncadd.s32 $0xFFFFD8F0  }
0xad: {  	[tilespmem:s11], [sflag:$0x2] =	stream.linear.gather [hbm4b:s18+s2], $0x2710, $0x38;
	[tilespmem:$0x18B00] =	vst v63  }
0xae: {  	_ =	swait.ge [sflag:s12], $0x2710  }
0xaf: {  	[sflag:s12] =	ssyncset.done $0x0  }
0xb0: {  	[sflag:s12] =	ssyncadd.s32 $0xFFFFD8F0  }
0xb1: {  	[tilespmem:s3], [sflag:$0x1] =	stream.linear.gather [hbm4b:s19+s2], $0x2710, $0x38;
	[tilespmem:$0x18B00] =	vst v63  }
0xb2: {  	_ =	swait.ge [sflag:s10], $0x2710  }
0xb3: {  	[sflag:s10] =	ssyncset.done $0x0  }
0xb4: {  	[sflag:s10] =	ssyncadd.s32 $0xFFFFD8F0  }
0xb5: {  	[tilespmem:s11], [sflag:$0x2] =	stream.linear.gather [hbm4b:s20+s2], $0x2710, $0x38;
	[tilespmem:$0x18B00] =	vst v63  }
0xb6: {  	_ =	swait.ge [sflag:s12], $0x2710  }
0xb7: {  	[sflag:s12] =	ssyncset.done $0x0  }
0xb8: {  	[sflag:s12] =	ssyncadd.s32 $0xFFFFD8F0  }
0xb9: {  	[tilespmem:s3], [sflag:$0x1] =	stream.linear.gather [hbm4b:s21+s2], $0x2710, $0x38;
	[tilespmem:$0x18B00] =	vst v63  }
0xba: {  	_ =	swait.ge [sflag:s10], $0x2710  }
0xbb: {  	[sflag:s10] =	ssyncset.done $0x0  }
0xbc: {  	[sflag:s10] =	ssyncadd.s32 $0xFFFFD8F0  }
0xbd: {  	[tilespmem:s11], [sflag:$0x2] =	stream.linear.gather [hbm4b:s22+s2], $0x2710, $0x38;
	[tilespmem:$0x18B00] =	vst v63  }
0xbe: {  	_ =	swait.ge [sflag:s12], $0x2710  }
0xbf: {  	[sflag:s12] =	ssyncset.done $0x0  }
0xc0: {  	[sflag:s12] =	ssyncadd.s32 $0xFFFFD8F0  }
0xc1: {  	[tilespmem:s3], [sflag:$0x1] =	stream.linear.gather [hbm4b:s23+s2], $0x2710, $0x38;
	[tilespmem:$0x18B00] =	vst v63  }
0xc2: {  	_ =	swait.ge [sflag:s10], $0x2710  }
0xc3: {  	[sflag:s10] =	ssyncset.done $0x0  }
0xc4: {  	[sflag:s10] =	ssyncadd.s32 $0xFFFFD8F0  }
0xc5: {  	[tilespmem:s11], [sflag:$0x2] =	stream.linear.gather [hbm4b:s24+s2], $0x2710, $0x38;
	[tilespmem:$0x18B00] =	vst v63  }
0xc6: {  	_ =	swait.ge [sflag:s12], $0x2710  }
0xc7: {  	[sflag:s12] =	ssyncset.done $0x0  }
0xc8: {  	[sflag:s12] =	ssyncadd.s32 $0xFFFFD8F0  }
0xc9: {  	[tilespmem:s3], [sflag:$0x1] =	stream.linear.gather [hbm4b:s25+s2], $0x2710, $0x38;
	[tilespmem:$0x18B00] =	vst v63  }
0xca: {  	_ =	swait.ge [sflag:s10], $0x2710  }
0xcb: {  	[sflag:s10] =	ssyncset.done $0x0  }
0xcc: {  	[sflag:s10] =	ssyncadd.s32 $0xFFFFD8F0  }
0xcd: {  	[tilespmem:s11], [sflag:$0x2] =	stream.linear.gather [hbm4b:s26+s2], $0x2710, $0x38;
	[tilespmem:$0x18B00] =	vst v63  }
0xce: {  	_ =	swait.ge [sflag:s12], $0x2710  }
0xcf: {  	[sflag:s12] =	ssyncset.done $0x0  }
0xd0: {  	s6 =	rddreg [dreg:$0x7];
	[sflag:s12] =	ssyncadd.s32 $0xFFFFD8F0  }
0xd1: {  	[hbm4b:s6+s4] =	stream.strided.scatter [tilespmem:s28], [sflag:$0x3], $0x2780, s5, s4, $0x38;
	[tilespmem:$0x18B00] =	vst v63  }
0xd2: {  	s7 =	rddreg [dreg:$0x8]  }
0xd3: {  	[hbm4b:s7+s4] =	stream.strided.scatter [tilespmem:s29], [sflag:$0x3], $0x2780, s5, s4, $0x38;
	[tilespmem:$0x18B00] =	vst v63  }
0xd4: {  	s1 =	rddreg [dreg:$0x9]  }
0xd5: {  	[hbm4b:s1+s4] =	stream.strided.scatter [tilespmem:s30], [sflag:$0x3], $0x2780, s5, s4, $0x38;
	[tilespmem:$0x18B00] =	vst v63  }
0xd6: {  	s7 =	rddreg [dreg:$0xa]  }
0xd7: {  	[hbm4b:s7+s4] =	stream.strided.scatter [tilespmem:s31], [sflag:$0x3], $0x2780, s5, s4, $0x38;
	[tilespmem:$0x18B00] =	vst v63  }
0xd8: {  	_ =	swait.ge [sflag:s8], $0x2780  }
0xd9: {  	[sflag:s8] =	ssyncset.done $0x0  }
0xda: {  	[sflag:s8] =	ssyncadd.s32 $0xFFFFD880  }
0xdb: {  	_ =	swait.ge [sflag:s8], $0x2780  }
0xdc: {  	p0 =	sne.s32 s0, $0x1;
	[sflag:s8] =	ssyncset.done $0x0  }
.Ltmp1:
0xdd: {  	[sflag:s8] =	ssyncadd.s32 $0xFFFFD880;
	(pc) =	sbr.rel @p0 .LBB2_1-.Ltmp1, $4  }
0xde: {  	_ =	swait.ge [sflag:s8], $0x2780  }
0xdf: {  	[sflag:s8] =	ssyncset.done $0x0  }
0xe0: {  	[sflag:s8] =	ssyncadd.s32 $0xFFFFD880  }
0xe1: {  	s0 =	sadd.s32 $0xFFFFFFFF, s0;
	_ =	swait.ge [sflag:s8], $0x2780  }
.LBB2_2:
0xe2: {  	[sflag:s8] =	ssyncset.done $0x0  }
0xe3: {  	[sflag:s8] =	ssyncadd.s32 $0xFFFFD880  }
0xe4: {  	_ =	sfence.sel $0x180000  }
0xe5: {  	[bflag:$0x0] =	sbarrier.arrive $0xFFFF  }
0xe6: {  	_ =	strace $0x9000004A  }
0xe7: {  	s0 =	stileid.u32;
	[bflag:$0x2] =	sbarrier.arrive $0xFFFF  }
0xe8: {  	p0 =	sne.s32 s0, $0x0;
	s0 =	rddreg [dreg:$0x1]  }
0xe9: {  	s0 =	sadd.s32 @!p0 $0x100000, s0  }
0xea: {  	[sflag:s0] =	ssyncadd.tile.s32 @!p0 $0x1;
	_ =	shalt  }
.Lfunc_end2:
_tile_overlayer_lowered:
.L_overlay_start_2:
0xeb: {  	(tag) =	ssettag $0x2  }
0xec: {  	s0 =	rddreg [dreg:$0x0];
	s2 =	stileid.u32  }
0xed: {  	s1 =	rddreg [dreg:$0x1];
	p0 =	sne.s32 s2, $0x0  }
0xee: {  	s3 =	rddreg [dreg:$0x2];
	[bflag:$0x3] =	sbarrier.arrive $0xFFFF;
	s2 =	simm.s32 @!p0 $0x1C04  }
0xef: {  	[timem:s3], [sflag:s2] =	dma.local @!p0 [hbm:s0], s1  }
0xf0: {  	s0 =	simm.s32 @!p0 $0x4  }
0xf1: {  	_ =	swait.ge @!p0 [sflag:s0], s1  }
0xf2: {  	s1 =	ssub.s32 @!p0 $0x0, s1;
	[sflag:s0] =	ssyncset.done @!p0 $0x0  }
0xf3: {  	[sflag:s0] =	ssyncadd.s32 @!p0 s1  }
0xf4: {  	[bflag:$0x3] =	sbarrier.arrive $0xFFFF  }
0xf5: {  	_ =	shalt  }

// kernel: kernel.14.cloned.1.call-start
scs
__scs_entry_jumppad:
0x0: {  	(pc) =	sbr.rel $0x88, $3  }
0x1: {  	(tag) =	ssettag $0x0;
	lr =	simm.s32 $0x1  }
0x2: {  	[smem:$0x3F99] =	sst lr;
	_ =	strace $0xD0000000  }
0x3: {  	_ = 	snop  }
0x4: {  	_ = 	snop  }
0x5: {  	_ = 	snop  }
0x6: {  	_ = 	snop  }
0x7: {  	_ = 	snop  }
__scs_overlays_trampoline_lowered:
0x8: {  	[smem:$0x3FA8] =	sst s0  }
0x9: {  	[smem:$0x3FA9] =	sst s1  }
0xa: {  	[smem:$0x3FAA] =	sst s2  }
0xb: {  	[smem:$0x3FAB] =	sst s3  }
0xc: {  	[smem:$0x3FAC] =	sst s4  }
0xd: {  	[smem:$0x3FAD] =	sst s5  }
0xe: {  	[smem:$0x3FAE] =	sst s6  }
0xf: {  	[smem:$0x3FAF] =	sst s7  }
0x10: {  	[smem:$0x3FB0] =	sst s8  }
0x11: {  	[smem:$0x3FB1] =	sst s9;
	s0 =	simm.s32 @!p0 $0x0  }
0x12: {  	s1 =	sld [smem:$0x3F97];
	s0 =	simm.s32 @p0 $0x1  }
0x13: {  	[smem:$0x3FB2] =	sst s0;
	s0 =	simm.s32 @!p1 $0x0  }
0x14: {  	s2 =	sld [smem:$0x3F96];
	s0 =	simm.s32 @p1 $0x1  }
0x15: {  	[smem:$0x3FB3] =	sst s0;
	s0 =	simm.s32 @!p2 $0x0  }
0x16: {  	s3 =	sld [smem:$0x3FDB];
	s0 =	simm.s32 @p2 $0x1  }
0x17: {  	s4 =	simm.s32 $0x1BF5;
	[smem:$0x3FB5] =	sst s0  }
0x18: {  	s0 =	sld [smem:$0x3F98];
	_ =	swait.ge [sflag:s4], $0x0  }
0x19: {  	s7 =	sld [smem:$0x3F99]  }
0x1a: {  	s8 =	sadd.s32 $0xFFFFE003, lr  }
0x1b: {  	s9 =	sadd.s32 $0xFFFFFEF7, lr;
	s5 =	simm.s32 $0xFFFFFFFF;
	p2 =	slt.u32 s8, $0xFFFFF086  }
0x1c: {  	p1 =	slt.u32 s9, $0xF7A;
	s5 =	simm.s32 @!p2 $0x0  }
0x1d: {  	s5 =	simm.s32 @p1 $0x1;
	p0 =	seq.s32 s7, s2  }
0x1e: {  	s7 =	smul.u32 @!p0 $0xF7A, s2;
	p2 =	seq.s32 @!p0 s5, $0x0  }
0x1f: {  	s9 =	smul.u32 $0xF7A, s1;
	s8 =	simm.s32 @!p0 $0x1BF5;
	p2 =	por !p2, p0  }
0x20: {  	[sflag:s8] =	ssyncset.s32 @!p0 $0xFFFFF086;
	s6 =	sadd.s32 @!p0 s3, s7;
	s7 =	simm.s32 @!p0 $0x108  }
0x21: {  	s3 =	sadd.s32 s3, s9;
	s6 =	sadd.s32 @!p0 $0x88, s6;
	s7 =	simm.s32 @p2 $0x1082  }
0x22: {  	[simem:s7], [sflag:s8] =	dma.local @!p0 [hbm:s6], $0xF7A  }
0x23: {  	s9 =	sor.u32 $0xD0000000, s2;
	s6 =	simm.s32 $0x108;
	_ =	swait.ge @!p0 [sflag:s8], $0x0  }
0x24: {  	s3 =	sadd.s32 $0x88, s3;
	s6 =	simm.s32 @!p1 $0x1082;
	[sflag:s4] =	ssyncset.s32 $0xFFFFF086  }
0x25: {  	[simem:s6], [sflag:s4] =	dma.local [hbm:s3], $0xF7A  }
0x26: {  	[smem:$0x3F99] =	sst s1;
	(tag) =	ssettag s2;
	_ =	strace s9  }
0x27: {  	s1 =	sld [smem:$0x3FA9]  }
0x28: {  	s2 =	sld [smem:$0x3FAA]  }
0x29: {  	s4 =	sld [smem:$0x3FAC]  }
0x2a: {  	p0 =	seq.s32 s5, $0x0;
	s5 =	sld [smem:$0x3FAD]  }
0x2b: {  	s6 =	sld [smem:$0x3FAE]  }
0x2c: {  	s7 =	sld [smem:$0x3FAF]  }
0x2d: {  	s3 =	simm.s32 $0x108;
	s8 =	sld [smem:$0x3FB0]  }
0x2e: {  	s3 =	simm.s32 @!p0 $0x1082;
	s9 =	sld [smem:$0x3FB1]  }
0x2f: {  	lr =	sadd.s32 s0, s3;
	s0 =	sld [smem:$0x3FA8]  }
0x30: {  	s3 =	sld [smem:$0x3FAB]  }
0x31: {  	[smem:$0x3FB4] =	sst s10  }
0x32: {  	s10 =	sld [smem:$0x3FB2];
	_ =	sdelay $0x3  }
0x33: {  	p0 =	seq.s32 s10, $0x1;
	s10 =	sld [smem:$0x3FB4];
	_ =	sdelay $0x3  }
0x34: {  	[smem:$0x3FB4] =	sst s10  }
0x35: {  	s10 =	sld [smem:$0x3FB3];
	_ =	sdelay $0x3  }
0x36: {  	p1 =	seq.s32 s10, $0x1;
	s10 =	sld [smem:$0x3FB4];
	_ =	sdelay $0x3  }
0x37: {  	[smem:$0x3FB4] =	sst s10  }
0x38: {  	s10 =	sld [smem:$0x3FB5]  }
0x39: {  	_ = 	snop;
	(pc) =	sbr.ind lr, $3  }
0x3a: {  	_ = 	snop  }
0x3b: {  	_ = 	snop  }
0x3c: {  	p2 =	seq.s32 s10, $0x1;
	s10 =	sld [smem:$0x3FB4]  }
0x3d: {  	_ =	shalt  }
0x3e: {  	_ =	shalt  }
0x3f: {  	_ =	shalt  }
0x40: {  	_ =	shalt  }
0x41: {  	_ =	shalt  }
0x42: {  	_ =	shalt  }
0x43: {  	_ =	shalt  }
0x44: {  	_ =	shalt  }
0x45: {  	_ =	shalt  }
0x46: {  	_ =	shalt  }
0x47: {  	_ =	shalt  }
0x48: {  	_ =	shalt  }
0x49: {  	_ =	shalt  }
0x4a: {  	_ =	shalt  }
0x4b: {  	_ =	shalt  }
0x4c: {  	_ =	shalt  }
0x4d: {  	_ =	shalt  }
0x4e: {  	_ =	shalt  }
0x4f: {  	_ =	shalt  }
0x50: {  	_ =	shalt  }
0x51: {  	_ =	shalt  }
0x52: {  	_ =	shalt  }
0x53: {  	_ =	shalt  }
0x54: {  	_ =	shalt  }
0x55: {  	_ =	shalt  }
0x56: {  	_ =	shalt  }
0x57: {  	_ =	shalt  }
0x58: {  	_ =	shalt  }
0x59: {  	_ =	shalt  }
0x5a: {  	_ =	shalt  }
0x5b: {  	_ =	shalt  }
0x5c: {  	_ =	shalt  }
0x5d: {  	_ =	shalt  }
0x5e: {  	_ =	shalt  }
0x5f: {  	_ =	shalt  }
0x60: {  	_ =	shalt  }
0x61: {  	_ =	shalt  }
0x62: {  	_ =	shalt  }
0x63: {  	_ =	shalt  }
0x64: {  	_ =	shalt  }
0x65: {  	_ =	shalt  }
0x66: {  	_ =	shalt  }
0x67: {  	_ =	shalt  }
0x68: {  	_ =	shalt  }
0x69: {  	_ =	shalt  }
0x6a: {  	_ =	shalt  }
0x6b: {  	_ =	shalt  }
0x6c: {  	_ =	shalt  }
0x6d: {  	_ =	shalt  }
0x6e: {  	_ =	shalt  }
0x6f: {  	_ =	shalt  }
0x70: {  	_ =	shalt  }
0x71: {  	_ =	shalt  }
0x72: {  	_ =	shalt  }
0x73: {  	_ =	shalt  }
0x74: {  	_ =	shalt  }
0x75: {  	_ =	shalt  }
0x76: {  	_ =	shalt  }
0x77: {  	_ =	shalt  }
0x78: {  	_ =	shalt  }
0x79: {  	_ =	shalt  }
0x7a: {  	_ =	shalt  }
0x7b: {  	_ =	shalt  }
0x7c: {  	_ =	shalt  }
0x7d: {  	_ =	shalt  }
0x7e: {  	_ =	shalt  }
0x7f: {  	_ =	shalt  }
0x80: {  	_ =	shalt  }
0x81: {  	_ =	shalt  }
0x82: {  	_ =	shalt  }
0x83: {  	_ =	shalt  }
0x84: {  	_ =	shalt  }
0x85: {  	_ =	shalt  }
0x86: {  	_ =	shalt  }
0x87: {  	_ =	shalt  }
.Lfunc_end0:
.L_simem_size_0:
called_computation.2_lowered:
.L_overlay_start_0:
0x88: {  	s2 =	sld [smem:$0x3FD9]  }
0x89: {  	s3 =	sld [smem:$0x3FFE];
	_ =	sdelay $0x1  }
0x8a: {  	s1 =	srdreg.scid  }
0x8b: {  	s0 =	sand.u32 $0x1, s1  }
0x8c: {  	s16 =	sshll.u32 s0, $0xA;
	s2 =	sadd.s32 s3, s2  }
0x8d: {  	s2 =	sadd.s32 s2, s16  }
0x8e: {  	[smem:$0x3FC0] =	sst s2  }
0x8f: {  	_ = 	snop  }
0x90: {  	(tm) =	ssettm $0x1  }
0x91: {  	s17 =	sld [smem:$0x3FFB];
	_ =	sdelay $0x3  }
0x92: {  	_ =	strace s17  }
0x93: {  	s2 =	sld [smem:$0x3FFC];
	_ =	sdelay $0x3  }
0x94: {  	_ =	strace s2  }
0x95: {  	s2 =	sld [smem:$0x3FFD];
	_ =	sdelay $0x3  }
0x96: {  	_ =	strace s2  }
0x97: {  	_ =	strace $0x8FFFFFFF  }
0x98: {  	s18 =	sld [smem:$0x3FDB];
	_ =	sdelay $0x1  }
0x99: {  	s19 =	simm.s32 $_scs_section_size  }
0x9a: {  	s4 =	simm.s32 $_size__tile_overlayer_lowered;
	s5 =	simm.s32 $_tile_overlayer_lowered  }
0x9b: {  	s22 =	simm.s32 $0x1BFF;
	s21 =	sshll.u32 s5, $0x1;
	s2 =	sadd.s32 s19, s18  }
0x9c: {  	s6 =	simm.s32 $0x0;
	s20 =	sshll.u32 s4, $0x1;
	s4 =	sadd.s32 s21, s2  }
0x9d: {  	[timem:s6], [sflag:s22] =	dma.local [hbm:s4], s20  }
0x9e: {  	_ =	swait.ge [sflag:s22], s20  }
0x9f: {  	s3 =	ssub.s32 $0x0, s20;
	[sflag:s22] =	ssyncset.done $0x0  }
0xa0: {  	[sflag:s22] =	ssyncadd.s32 s3;
	_ =	sdelay $0x1  }
0xa1: {  	s23 =	simm.s32 $0x1B8B  }
0xa2: {  	_ =	swait.ge [sflag:s23], $0x1  }
0xa3: {  	[sflag:s23] =	ssyncset.done $0x0  }
0xa4: {  	s25 =	simm.s32 $0x1B8E;
	s24 =	sld [smem:$0x3FFE];
	[sflag:s23] =	ssyncadd.s32 $0xFFFFFFFF  }
0xa5: {  	s26 =	simm.s32 $execute0_lowered;
	[smem:$0x3FD2] =	sst s25  }
0xa6: {  	s4 =	sshll.u32 s26, $0x1;
	_ =	strace $0x8000004C;
	[dreg:$0x1] =	wrdreg $0xFFFFFFFF  }
0xa7: {  	s28 =	simm.s32 $_size_execute0_lowered;
	s2 =	sadd.s32 s2, s4;
	[dreg:$0x0] =	wrdreg $0x0  }
0xa8: {  	s4 =	sshll.u32 s28, $0x1;
	[dreg:$0x2] =	wrdreg s2  }
0xa9: {  	[dreg:$0x3] =	wrdreg s4  }
0xaa: {  	[dreg:$0x4] =	wrdreg $0xC0  }
0xab: {  	_ =	task [dreg:s6], $0x5FFFF  }
0xac: {  	[dreg:$0x1] =	wrdreg $0xFFFFFFFF  }
0xad: {  	[dreg:$0x0] =	wrdreg $0x60  }
0xae: {  	[dreg:$0x2] =	wrdreg s24  }
0xaf: {  	[dreg:$0x3] =	wrdreg $0x9  }
0xb0: {  	_ =	task.clear_ibuf [dreg:s6], $0x4FFFF;
	_ =	strace $0x9000004C  }
0xb1: {  	s29 =	simm.s32 $0x9;
	_ =	strace $0x8000004E  }
0xb2: {  	_ =	swait.ge [sflag:s29], $0x1  }
0xb3: {  	[sflag:s29] =	ssyncadd.s32 $0xFFFFFFFF  }
0xb4: {  	_ =	strace $0x9000004E  }
0xb5: {  	_ =	sfence  }
0xb6: {  	s30 =	sld [smem:$0x0];
	_ =	sdelay $0x2  }
0xb7: {  	s31 =	sshll.u32 s1, $0xD;
	s1 =	sshrl.u32 s1, $0x2  }
0xb8: {  	s3 =	sand.u32 $0x4000, s31;
	s1 =	sadd.s32 s1, s30  }
0xb9: {  	s0 =	sor.u32 s3, s0;
	s1 =	sshll.u32 s1, $0x11  }
0xba: {  	s0 =	sor.u32 s1, s0  }
0xbb: {  	s0 =	sadd.s32 $0x8F2B, s0  }
0xbc: {  	[sflag:s0] =	ssyncadd.remote.s32 $0x1  }
0xbd: {  	_ =	sfence.sel $0xFFFF  }
0xbe: {  	[dreg:$0x0] =	wrdreg $0xFFFFFFFF;
	(pc) =	sbr.abs _section_cstart, $3  }
0xbf: {  	[dreg:$0x1] =	wrdreg $0xFFFFFFFF  }
0xc0: {  	_ =	task.clear_ibuf [dreg:s6], $0x2FFFF;
	_ =	strace $0x9FFFFFFF  }
0xc1: {  	(tm) =	ssettm $0x7FFFFFFF  }
tec
execute0_lowered:
.L_overlay_start_1:
0x0: {  	(tag) =	ssettag $0x1  }
0x1: {  	s3 =	rddreg [dreg:$0x0]  }
0x2: {  	s2 =	simm.s32 $0x0;
	s0 =	srdreg.scid;
	s1 =	stileid.u32  }
0x3: {  	[smem:$0x7FF] =	sst s2;
	s0 =	sand.u32 $0x1, s0;
	s5 =	sshrl.u32 s1, $0x1  }
0x4: {  	s6 =	sshll.u32 s1, $0x9;
	s7 =	sadd.s32 $0xC600, s3;
	s4 =	smul.u32 $0x27100, s0  }
0x5: {  	_ =	strace $0x8000004D;
	s5 =	smul.u32 $0x13C00, s5;
	s20 =	sand.u32 $0x200, s6  }
0x6: {  	s12 =	smul.u32 $0x9E000, s0;
	s8 =	sor.u32 $0x80, s20;
	s23 =	sor.u32 $0x100, s20  }
0x7: {  	s11 =	sor.u32 $0x180, s20;
	s4 =	sshrl.u32 s4, $0x3;
	s6 =	sor.u32 s20, s5  }
0x8: {  	s10 =	sor.u32 s5, s8;
	s24 =	sor.u32 s5, s23;
	s1 =	sor.u32 s5, s11  }
0x9: {  	s5 =	sadd.s32 s12, s5;
	s26 =	sadd.s32 s4, s3;
	s3 =	sadd.s32 $0x20200, s3  }
0xa: {  	s6 =	sshrl.u32 s6, $0x3;
	s21 =	sshrl.u32 s10, $0x3;
	s9 =	sadd.s32 $0x2800, s26  }
0xb: {  	s25 =	sshrl.u32 s24, $0x3;
	s6 =	sadd.s32 s7, s6;
	[dreg:$0x2] =	wrdreg s9  }
0xc: {  	s10 =	sshrl.u32 s1, $0x3;
	s22 =	sadd.s32 s7, s21;
	[dreg:$0x3] =	wrdreg s6  }
0xd: {  	s4 =	sor.u32 s20, s5;
	s10 =	sadd.s32 s7, s10;
	[dreg:$0x4] =	wrdreg s22  }
0xe: {  	s13 =	sor.u32 s23, s5;
	s23 =	sadd.s32 $0x2CE2, s26;
	[dreg:$0x6] =	wrdreg s10  }
0xf: {  	s4 =	sshrl.u32 s4, $0x3;
	s6 =	sadd.s32 s7, s25;
	[dreg:$0xb] =	wrdreg s23  }
0x10: {  	s15 =	sshrl.u32 s13, $0x3;
	s4 =	sadd.s32 s3, s4;
	[dreg:$0x5] =	wrdreg s6  }
0x11: {  	s16 =	sadd.s32 s3, s15;
	[dreg:$0x7] =	wrdreg s4  }
0x12: {  	s12 =	sor.u32 s8, s5;
	s5 =	sor.u32 s11, s5;
	[dreg:$0x9] =	wrdreg s16  }
0x13: {  	s17 =	sshrl.u32 s5, $0x3;
	s6 =	sshrl.u32 s12, $0x3;
	s18 =	rddreg [dreg:$0x2]  }
0x14: {  	s19 =	rddreg [dreg:$0x3];
	s14 =	sadd.s32 s3, s6;
	s3 =	sadd.s32 s3, s17  }
0x15: {  	[dreg:$0xa] =	wrdreg s3;
	s3 =	simm.s32 $0x13C00  }
0x16: {  	[tilespmem:s3], [sflag:$0x1] =	stream.linear.gather [hbm4b:s18+s2], $0x2710, $0x38;
	[tilespmem:$0x18B00] =	vst v63  }
0x17: {  	s5 =	simm.s32 $0x400;
	s4 =	simm.s32 $0x80;
	s20 =	rddreg [dreg:$0x4]  }
0x18: {  	[tilespmem:s2], [sflag:$0x3] =	stream.strided.gather [hbm4b:s19+s4], $0x2780, s5, s4, $0x38;
	[tilespmem:$0x18B00] =	vst v63  }
0x19: {  	s21 =	simm.s32 $0x2780;
	s25 =	rddreg [dreg:$0x6]  }
0x1a: {  	[tilespmem:s21], [sflag:$0x3] =	stream.strided.gather [hbm4b:s20+s4], $0x2780, s5, s4, $0x38;
	[tilespmem:$0x18B00] =	vst v63  }
0x1b: {  	s24 =	simm.s32 $0x4F00;
	s22 =	rddreg [dreg:$0x5]  }
0x1c: {  	[tilespmem:s24], [sflag:$0x3] =	stream.strided.gather [hbm4b:s22+s4], $0x2780, s5, s4, $0x38;
	[tilespmem:$0x18B00] =	vst v63  }
0x1d: {  	s8 =	simm.s32 $0x3;
	s9 =	simm.s32 $0x7680;
	[dreg:$0x8] =	wrdreg s14  }
0x1e: {  	[tilespmem:s9], [sflag:$0x3] =	stream.strided.gather [hbm4b:s25+s4], $0x2780, s5, s4, $0x38;
	[tilespmem:$0x18B00] =	vst v63  }
0x1f: {  	_ =	swait.ge [sflag:s8], $0x2780  }
0x20: {  	[sflag:s8] =	ssyncset.done $0x0  }
0x21: {  	[sflag:s8] =	ssyncadd.s32 $0xFFFFD880  }
0x22: {  	_ =	swait.ge [sflag:s8], $0x2780  }
0x23: {  	[sflag:s8] =	ssyncset.done $0x0  }
0x24: {  	[sflag:s8] =	ssyncadd.s32 $0xFFFFD880  }
0x25: {  	_ =	swait.ge [sflag:s8], $0x2780  }
0x26: {  	[sflag:s8] =	ssyncset.done $0x0  }
0x27: {  	[sflag:s8] =	ssyncadd.s32 $0xFFFFD880  }
0x28: {  	_ =	swait.ge [sflag:s8], $0x2780  }
0x29: {  	[sflag:s8] =	ssyncset.done $0x0  }
0x2a: {  	s10 =	simm.s32 $0x1;
	[sflag:s8] =	ssyncadd.s32 $0xFFFFD880  }
0x2b: {  	_ =	swait.ge [sflag:s10], $0x2710  }
0x2c: {  	s11 =	simm.s32 $0x16380;
	[sflag:s10] =	ssyncset.done $0x0  }
0x2d: {  	s12 =	simm.s32 $0x2;
	s13 =	rddreg [dreg:$0xb];
	[sflag:s10] =	ssyncadd.s32 $0xFFFFD8F0  }
0x2e: {  	[tilespmem:s11], [sflag:$0x2] =	stream.linear.gather [hbm4b:s13+s2], $0x2710, $0x38;
	[tilespmem:$0x18B00] =	vst v63  }
0x2f: {  	_ =	swait.ge [sflag:s12], $0x2710  }
0x30: {  	[sflag:s12] =	ssyncset.done $0x0  }
0x31: {  	s13 =	sadd.s32 $0x31C4, s26;
	[sflag:s12] =	ssyncadd.s32 $0xFFFFD8F0  }
0x32: {  	[tilespmem:s3], [sflag:$0x1] =	stream.linear.gather [hbm4b:s13+s2], $0x2710, $0x38;
	[tilespmem:$0x18B00] =	vst v63  }
0x33: {  	_ =	swait.ge [sflag:s10], $0x2710  }
0x34: {  	[sflag:s10] =	ssyncset.done $0x0  }
0x35: {  	s14 =	sadd.s32 $0x36A6, s26;
	[sflag:s10] =	ssyncadd.s32 $0xFFFFD8F0  }
0x36: {  	[tilespmem:s11], [sflag:$0x2] =	stream.linear.gather [hbm4b:s14+s2], $0x2710, $0x38;
	[tilespmem:$0x18B00] =	vst v63  }
0x37: {  	_ =	swait.ge [sflag:s12], $0x2710  }
0x38: {  	[sflag:s12] =	ssyncset.done $0x0  }
0x39: {  	s15 =	sadd.s32 $0x3B88, s26;
	[sflag:s12] =	ssyncadd.s32 $0xFFFFD8F0  }
0x3a: {  	[tilespmem:s3], [sflag:$0x1] =	stream.linear.gather [hbm4b:s15+s2], $0x2710, $0x38;
	[tilespmem:$0x18B00] =	vst v63  }
0x3b: {  	_ =	swait.ge [sflag:s10], $0x2710  }
0x3c: {  	[sflag:s10] =	ssyncset.done $0x0  }
0x3d: {  	s16 =	sadd.s32 $0x406A, s26;
	[sflag:s10] =	ssyncadd.s32 $0xFFFFD8F0  }
0x3e: {  	[tilespmem:s11], [sflag:$0x2] =	stream.linear.gather [hbm4b:s16+s2], $0x2710, $0x38;
	[tilespmem:$0x18B00] =	vst v63  }
0x3f: {  	_ =	swait.ge [sflag:s12], $0x2710  }
0x40: {  	[sflag:s12] =	ssyncset.done $0x0  }
0x41: {  	s17 =	sadd.s32 $0x454C, s26;
	[sflag:s12] =	ssyncadd.s32 $0xFFFFD8F0  }
0x42: {  	[tilespmem:s3], [sflag:$0x1] =	stream.linear.gather [hbm4b:s17+s2], $0x2710, $0x38;
	[tilespmem:$0x18B00] =	vst v63  }
0x43: {  	_ =	swait.ge [sflag:s10], $0x2710  }
0x44: {  	[sflag:s10] =	ssyncset.done $0x0  }
0x45: {  	s18 =	sadd.s32 $0x4A2E, s26;
	[sflag:s10] =	ssyncadd.s32 $0xFFFFD8F0  }
0x46: {  	[tilespmem:s11], [sflag:$0x2] =	stream.linear.gather [hbm4b:s18+s2], $0x2710, $0x38;
	[tilespmem:$0x18B00] =	vst v63  }
0x47: {  	_ =	swait.ge [sflag:s12], $0x2710  }
0x48: {  	[sflag:s12] =	ssyncset.done $0x0  }
0x49: {  	s19 =	sadd.s32 $0x4F10, s26;
	[sflag:s12] =	ssyncadd.s32 $0xFFFFD8F0  }
0x4a: {  	[tilespmem:s3], [sflag:$0x1] =	stream.linear.gather [hbm4b:s19+s2], $0x2710, $0x38;
	[tilespmem:$0x18B00] =	vst v63  }
0x4b: {  	_ =	swait.ge [sflag:s10], $0x2710  }
0x4c: {  	[sflag:s10] =	ssyncset.done $0x0  }
0x4d: {  	s20 =	sadd.s32 $0x53F2, s26;
	[sflag:s10] =	ssyncadd.s32 $0xFFFFD8F0  }
0x4e: {  	[tilespmem:s11], [sflag:$0x2] =	stream.linear.gather [hbm4b:s20+s2], $0x2710, $0x38;
	[tilespmem:$0x18B00] =	vst v63  }
0x4f: {  	_ =	swait.ge [sflag:s12], $0x2710  }
0x50: {  	[sflag:s12] =	ssyncset.done $0x0  }
0x51: {  	s21 =	sadd.s32 $0x58D4, s26;
	[sflag:s12] =	ssyncadd.s32 $0xFFFFD8F0  }
0x52: {  	[tilespmem:s3], [sflag:$0x1] =	stream.linear.gather [hbm4b:s21+s2], $0x2710, $0x38;
	[tilespmem:$0x18B00] =	vst v63  }
0x53: {  	_ =	swait.ge [sflag:s10], $0x2710  }
0x54: {  	[sflag:s10] =	ssyncset.done $0x0  }
0x55: {  	s22 =	sadd.s32 $0x5DB6, s26;
	[sflag:s10] =	ssyncadd.s32 $0xFFFFD8F0  }
0x56: {  	[tilespmem:s11], [sflag:$0x2] =	stream.linear.gather [hbm4b:s22+s2], $0x2710, $0x38;
	[tilespmem:$0x18B00] =	vst v63  }
0x57: {  	_ =	swait.ge [sflag:s12], $0x2710  }
0x58: {  	[sflag:s12] =	ssyncset.done $0x0  }
0x59: {  	s23 =	sadd.s32 $0x6298, s26;
	[sflag:s12] =	ssyncadd.s32 $0xFFFFD8F0  }
0x5a: {  	[tilespmem:s3], [sflag:$0x1] =	stream.linear.gather [hbm4b:s23+s2], $0x2710, $0x38;
	[tilespmem:$0x18B00] =	vst v63  }
0x5b: {  	_ =	swait.ge [sflag:s10], $0x2710  }
0x5c: {  	[sflag:s10] =	ssyncset.done $0x0  }
0x5d: {  	s24 =	sadd.s32 $0x677A, s26;
	[sflag:s10] =	ssyncadd.s32 $0xFFFFD8F0  }
0x5e: {  	[tilespmem:s11], [sflag:$0x2] =	stream.linear.gather [hbm4b:s24+s2], $0x2710, $0x38;
	[tilespmem:$0x18B00] =	vst v63  }
0x5f: {  	_ =	swait.ge [sflag:s12], $0x2710  }
0x60: {  	[sflag:s12] =	ssyncset.done $0x0  }
0x61: {  	s25 =	sadd.s32 $0x6C5C, s26;
	[sflag:s12] =	ssyncadd.s32 $0xFFFFD8F0  }
0x62: {  	[tilespmem:s3], [sflag:$0x1] =	stream.linear.gather [hbm4b:s25+s2], $0x2710, $0x38;
	[tilespmem:$0x18B00] =	vst v63  }
0x63: {  	_ =	swait.ge [sflag:s10], $0x2710  }
0x64: {  	[sflag:s10] =	ssyncset.done $0x0  }
0x65: {  	s26 =	sadd.s32 $0x713E, s26;
	[sflag:s10] =	ssyncadd.s32 $0xFFFFD8F0  }
0x66: {  	[tilespmem:s11], [sflag:$0x2] =	stream.linear.gather [hbm4b:s26+s2], $0x2710, $0x38;
	[tilespmem:$0x18B00] =	vst v63  }
0x67: {  	_ =	swait.ge [sflag:s12], $0x2710  }
0x68: {  	[sflag:s12] =	ssyncset.done $0x0  }
0x69: {  	s28 =	simm.s32 $0x9E00;
	s29 =	rddreg [dreg:$0x7];
	[sflag:s12] =	ssyncadd.s32 $0xFFFFD8F0  }
0x6a: {  	[hbm4b:s29+s4] =	stream.strided.scatter [tilespmem:s28], [sflag:$0x3], $0x2780, s5, s4, $0x38;
	[tilespmem:$0x18B00] =	vst v63  }
0x6b: {  	s30 =	rddreg [dreg:$0x8];
	s29 =	simm.s32 $0xC580  }
0x6c: {  	[hbm4b:s30+s4] =	stream.strided.scatter [tilespmem:s29], [sflag:$0x3], $0x2780, s5, s4, $0x38;
	[tilespmem:$0x18B00] =	vst v63  }
0x6d: {  	s31 =	rddreg [dreg:$0x9];
	s30 =	simm.s32 $0xED00  }
0x6e: {  	[hbm4b:s31+s4] =	stream.strided.scatter [tilespmem:s30], [sflag:$0x3], $0x2780, s5, s4, $0x38;
	[tilespmem:$0x18B00] =	vst v63  }
0x6f: {  	s6 =	rddreg [dreg:$0xa];
	s31 =	simm.s32 $0x11480  }
0x70: {  	[hbm4b:s6+s4] =	stream.strided.scatter [tilespmem:s31], [sflag:$0x3], $0x2780, s5, s4, $0x38;
	[tilespmem:$0x18B00] =	vst v63  }
0x71: {  	s0 =	ssub.s32 $0x2, s0;
	_ =	swait.ge [sflag:s8], $0x2780  }
0x72: {  	s7 =	sshrl.u32 s0, $0x1;
	[sflag:s8] =	ssyncset.done $0x0  }
0x73: {  	s0 =	ssub.s32 s0, s7;
	[sflag:s8] =	ssyncadd.s32 $0xFFFFD880  }
0x74: {  	s0 =	smax.u32 s0, $0x1;
	_ =	swait.ge [sflag:s8], $0x2780  }
0x75: {  	p0 =	sne.s32 s0, $0x1;
	[sflag:s8] =	ssyncset.done $0x0  }
.Ltmp0:
0x76: {  	[sflag:s8] =	ssyncadd.s32 $0xFFFFD880;
	(pc) =	sbr.rel @!p0 .LBB2_2-.Ltmp0, $4  }
0x77: {  	_ =	swait.ge [sflag:s8], $0x2780  }
0x78: {  	[sflag:s8] =	ssyncset.done $0x0  }
0x79: {  	[sflag:s8] =	ssyncadd.s32 $0xFFFFD880  }
0x7a: {  	s0 =	sadd.s32 $0xFFFFFFFF, s0;
	_ =	swait.ge [sflag:s8], $0x2780  }
.LBB2_1:
0x7b: {  	[sflag:s8] =	ssyncset.done $0x0  }
0x7c: {  	s1 =	rddreg [dreg:$0x2];
	[sflag:s8] =	ssyncadd.s32 $0xFFFFD880  }
0x7d: {  	[tilespmem:s3], [sflag:$0x1] =	stream.linear.gather [hbm4b:s1+s2], $0x2710, $0x38;
	[tilespmem:$0x18B00] =	vst v63  }
0x7e: {  	s6 =	rddreg [dreg:$0x3]  }
0x7f: {  	[tilespmem:s2], [sflag:$0x3] =	stream.strided.gather [hbm4b:s6+s4], $0x2780, s5, s4, $0x38;
	[tilespmem:$0x18B00] =	vst v63  }
0x80: {  	s7 =	simm.s32 $0x2780;
	s1 =	rddreg [dreg:$0x4]  }
0x81: {  	[tilespmem:s7], [sflag:$0x3] =	stream.strided.gather [hbm4b:s1+s4], $0x2780, s5, s4, $0x38;
	[tilespmem:$0x18B00] =	vst v63  }
0x82: {  	s6 =	rddreg [dreg:$0x5];
	s7 =	simm.s32 $0x4F00  }
0x83: {  	[tilespmem:s7], [sflag:$0x3] =	stream.strided.gather [hbm4b:s6+s4], $0x2780, s5, s4, $0x38;
	[tilespmem:$0x18B00] =	vst v63  }
0x84: {  	s1 =	rddreg [dreg:$0x6]  }
0x85: {  	[tilespmem:s9], [sflag:$0x3] =	stream.strided.gather [hbm4b:s1+s4], $0x2780, s5, s4, $0x38;
	[tilespmem:$0x18B00] =	vst v63  }
0x86: {  	_ =	swait.ge [sflag:s8], $0x2780  }
0x87: {  	[sflag:s8] =	ssyncset.done $0x0  }
0x88: {  	[sflag:s8] =	ssyncadd.s32 $0xFFFFD880  }
0x89: {  	_ =	swait.ge [sflag:s8], $0x2780  }
0x8a: {  	[sflag:s8] =	ssyncset.done $0x0  }
0x8b: {  	[sflag:s8] =	ssyncadd.s32 $0xFFFFD880  }
0x8c: {  	_ =	swait.ge [sflag:s8], $0x2780  }
0x8d: {  	[sflag:s8] =	ssyncset.done $0x0  }
0x8e: {  	[sflag:s8] =	ssyncadd.s32 $0xFFFFD880  }
0x8f: {  	_ =	swait.ge [sflag:s8], $0x2780  }
0x90: {  	[sflag:s8] =	ssyncset.done $0x0  }
0x91: {  	[sflag:s8] =	ssyncadd.s32 $0xFFFFD880  }
0x92: {  	_ =	swait.ge [sflag:s10], $0x2710  }
0x93: {  	[sflag:s10] =	ssyncset.done $0x0  }
0x94: {  	s7 =	rddreg [dreg:$0xb];
	[sflag:s10] =	ssyncadd.s32 $0xFFFFD8F0  }
0x95: {  	[tilespmem:s11], [sflag:$0x2] =	stream.linear.gather [hbm4b:s7+s2], $0x2710, $0x38;
	[tilespmem:$0x18B00] =	vst v63  }
0x96: {  	_ =	swait.ge [sflag:s12], $0x2710  }
0x97: {  	[sflag:s12] =	ssyncset.done $0x0  }
0x98: {  	[sflag:s12] =	ssyncadd.s32 $0xFFFFD8F0  }
0x99: {  	[tilespmem:s3], [sflag:$0x1] =	stream.linear.gather [hbm4b:s13+s2], $0x2710, $0x38;
	[tilespmem:$0x18B00] =	vst v63  }
0x9a: {  	_ =	swait.ge [sflag:s10], $0x2710  }
0x9b: {  	[sflag:s10] =	ssyncset.done $0x0  }
0x9c: {  	[sflag:s10] =	ssyncadd.s32 $0xFFFFD8F0  }
0x9d: {  	[tilespmem:s11], [sflag:$0x2] =	stream.linear.gather [hbm4b:s14+s2], $0x2710, $0x38;
	[tilespmem:$0x18B00] =	vst v63  }
0x9e: {  	_ =	swait.ge [sflag:s12], $0x2710  }
0x9f: {  	[sflag:s12] =	ssyncset.done $0x0  }
0xa0: {  	[sflag:s12] =	ssyncadd.s32 $0xFFFFD8F0  }
0xa1: {  	[tilespmem:s3], [sflag:$0x1] =	stream.linear.gather [hbm4b:s15+s2], $0x2710, $0x38;
	[tilespmem:$0x18B00] =	vst v63  }
0xa2: {  	_ =	swait.ge [sflag:s10], $0x2710  }
0xa3: {  	[sflag:s10] =	ssyncset.done $0x0  }
0xa4: {  	[sflag:s10] =	ssyncadd.s32 $0xFFFFD8F0  }
0xa5: {  	[tilespmem:s11], [sflag:$0x2] =	stream.linear.gather [hbm4b:s16+s2], $0x2710, $0x38;
	[tilespmem:$0x18B00] =	vst v63  }
0xa6: {  	_ =	swait.ge [sflag:s12], $0x2710  }
0xa7: {  	[sflag:s12] =	ssyncset.done $0x0  }
0xa8: {  	[sflag:s12] =	ssyncadd.s32 $0xFFFFD8F0  }
0xa9: {  	[tilespmem:s3], [sflag:$0x1] =	stream.linear.gather [hbm4b:s17+s2], $0x2710, $0x38;
	[tilespmem:$0x18B00] =	vst v63  }
0xaa: {  	_ =	swait.ge [sflag:s10], $0x2710  }
0xab: {  	[sflag:s10] =	ssyncset.done $0x0  }
0xac: {  	[sflag:s10] =	ssyncadd.s32 $0xFFFFD8F0  }
0xad: {  	[tilespmem:s11], [sflag:$0x2] =	stream.linear.gather [hbm4b:s18+s2], $0x2710, $0x38;
	[tilespmem:$0x18B00] =	vst v63  }
0xae: {  	_ =	swait.ge [sflag:s12], $0x2710  }
0xaf: {  	[sflag:s12] =	ssyncset.done $0x0  }
0xb0: {  	[sflag:s12] =	ssyncadd.s32 $0xFFFFD8F0  }
0xb1: {  	[tilespmem:s3], [sflag:$0x1] =	stream.linear.gather [hbm4b:s19+s2], $0x2710, $0x38;
	[tilespmem:$0x18B00] =	vst v63  }
0xb2: {  	_ =	swait.ge [sflag:s10], $0x2710  }
0xb3: {  	[sflag:s10] =	ssyncset.done $0x0  }
0xb4: {  	[sflag:s10] =	ssyncadd.s32 $0xFFFFD8F0  }
0xb5: {  	[tilespmem:s11], [sflag:$0x2] =	stream.linear.gather [hbm4b:s20+s2], $0x2710, $0x38;
	[tilespmem:$0x18B00] =	vst v63  }
0xb6: {  	_ =	swait.ge [sflag:s12], $0x2710  }
0xb7: {  	[sflag:s12] =	ssyncset.done $0x0  }
0xb8: {  	[sflag:s12] =	ssyncadd.s32 $0xFFFFD8F0  }
0xb9: {  	[tilespmem:s3], [sflag:$0x1] =	stream.linear.gather [hbm4b:s21+s2], $0x2710, $0x38;
	[tilespmem:$0x18B00] =	vst v63  }
0xba: {  	_ =	swait.ge [sflag:s10], $0x2710  }
0xbb: {  	[sflag:s10] =	ssyncset.done $0x0  }
0xbc: {  	[sflag:s10] =	ssyncadd.s32 $0xFFFFD8F0  }
0xbd: {  	[tilespmem:s11], [sflag:$0x2] =	stream.linear.gather [hbm4b:s22+s2], $0x2710, $0x38;
	[tilespmem:$0x18B00] =	vst v63  }
0xbe: {  	_ =	swait.ge [sflag:s12], $0x2710  }
0xbf: {  	[sflag:s12] =	ssyncset.done $0x0  }
0xc0: {  	[sflag:s12] =	ssyncadd.s32 $0xFFFFD8F0  }
0xc1: {  	[tilespmem:s3], [sflag:$0x1] =	stream.linear.gather [hbm4b:s23+s2], $0x2710, $0x38;
	[tilespmem:$0x18B00] =	vst v63  }
0xc2: {  	_ =	swait.ge [sflag:s10], $0x2710  }
0xc3: {  	[sflag:s10] =	ssyncset.done $0x0  }
0xc4: {  	[sflag:s10] =	ssyncadd.s32 $0xFFFFD8F0  }
0xc5: {  	[tilespmem:s11], [sflag:$0x2] =	stream.linear.gather [hbm4b:s24+s2], $0x2710, $0x38;
	[tilespmem:$0x18B00] =	vst v63  }
0xc6: {  	_ =	swait.ge [sflag:s12], $0x2710  }
0xc7: {  	[sflag:s12] =	ssyncset.done $0x0  }
0xc8: {  	[sflag:s12] =	ssyncadd.s32 $0xFFFFD8F0  }
0xc9: {  	[tilespmem:s3], [sflag:$0x1] =	stream.linear.gather [hbm4b:s25+s2], $0x2710, $0x38;
	[tilespmem:$0x18B00] =	vst v63  }
0xca: {  	_ =	swait.ge [sflag:s10], $0x2710  }
0xcb: {  	[sflag:s10] =	ssyncset.done $0x0  }
0xcc: {  	[sflag:s10] =	ssyncadd.s32 $0xFFFFD8F0  }
0xcd: {  	[tilespmem:s11], [sflag:$0x2] =	stream.linear.gather [hbm4b:s26+s2], $0x2710, $0x38;
	[tilespmem:$0x18B00] =	vst v63  }
0xce: {  	_ =	swait.ge [sflag:s12], $0x2710  }
0xcf: {  	[sflag:s12] =	ssyncset.done $0x0  }
0xd0: {  	s6 =	rddreg [dreg:$0x7];
	[sflag:s12] =	ssyncadd.s32 $0xFFFFD8F0  }
0xd1: {  	[hbm4b:s6+s4] =	stream.strided.scatter [tilespmem:s28], [sflag:$0x3], $0x2780, s5, s4, $0x38;
	[tilespmem:$0x18B00] =	vst v63  }
0xd2: {  	s7 =	rddreg [dreg:$0x8]  }
0xd3: {  	[hbm4b:s7+s4] =	stream.strided.scatter [tilespmem:s29], [sflag:$0x3], $0x2780, s5, s4, $0x38;
	[tilespmem:$0x18B00] =	vst v63  }
0xd4: {  	s1 =	rddreg [dreg:$0x9]  }
0xd5: {  	[hbm4b:s1+s4] =	stream.strided.scatter [tilespmem:s30], [sflag:$0x3], $0x2780, s5, s4, $0x38;
	[tilespmem:$0x18B00] =	vst v63  }
0xd6: {  	s7 =	rddreg [dreg:$0xa]  }
0xd7: {  	[hbm4b:s7+s4] =	stream.strided.scatter [tilespmem:s31], [sflag:$0x3], $0x2780, s5, s4, $0x38;
	[tilespmem:$0x18B00] =	vst v63  }
0xd8: {  	_ =	swait.ge [sflag:s8], $0x2780  }
0xd9: {  	[sflag:s8] =	ssyncset.done $0x0  }
0xda: {  	[sflag:s8] =	ssyncadd.s32 $0xFFFFD880  }
0xdb: {  	_ =	swait.ge [sflag:s8], $0x2780  }
0xdc: {  	p0 =	sne.s32 s0, $0x1;
	[sflag:s8] =	ssyncset.done $0x0  }
.Ltmp1:
0xdd: {  	[sflag:s8] =	ssyncadd.s32 $0xFFFFD880;
	(pc) =	sbr.rel @p0 .LBB2_1-.Ltmp1, $4  }
0xde: {  	_ =	swait.ge [sflag:s8], $0x2780  }
0xdf: {  	[sflag:s8] =	ssyncset.done $0x0  }
0xe0: {  	[sflag:s8] =	ssyncadd.s32 $0xFFFFD880  }
0xe1: {  	s0 =	sadd.s32 $0xFFFFFFFF, s0;
	_ =	swait.ge [sflag:s8], $0x2780  }
.LBB2_2:
0xe2: {  	[sflag:s8] =	ssyncset.done $0x0  }
0xe3: {  	[sflag:s8] =	ssyncadd.s32 $0xFFFFD880  }
0xe4: {  	_ =	sfence.sel $0x180000  }
0xe5: {  	[bflag:$0x0] =	sbarrier.arrive $0xFFFF  }
0xe6: {  	_ =	strace $0x9000004D  }
0xe7: {  	s0 =	stileid.u32;
	[bflag:$0x2] =	sbarrier.arrive $0xFFFF  }
0xe8: {  	p0 =	sne.s32 s0, $0x0;
	s0 =	rddreg [dreg:$0x1]  }
0xe9: {  	s0 =	sadd.s32 @!p0 $0x100000, s0  }
0xea: {  	[sflag:s0] =	ssyncadd.tile.s32 @!p0 $0x1;
	_ =	shalt  }
.Lfunc_end2:
_tile_overlayer_lowered:
.L_overlay_start_2:
0xeb: {  	(tag) =	ssettag $0x2  }
0xec: {  	s0 =	rddreg [dreg:$0x0];
	s2 =	stileid.u32  }
0xed: {  	s1 =	rddreg [dreg:$0x1];
	p0 =	sne.s32 s2, $0x0  }
0xee: {  	s3 =	rddreg [dreg:$0x2];
	[bflag:$0x3] =	sbarrier.arrive $0xFFFF;
	s2 =	simm.s32 @!p0 $0x1C04  }
0xef: {  	[timem:s3], [sflag:s2] =	dma.local @!p0 [hbm:s0], s1  }
0xf0: {  	s0 =	simm.s32 @!p0 $0x4  }
0xf1: {  	_ =	swait.ge @!p0 [sflag:s0], s1  }
0xf2: {  	s1 =	ssub.s32 @!p0 $0x0, s1;
	[sflag:s0] =	ssyncset.done @!p0 $0x0  }
0xf3: {  	[sflag:s0] =	ssyncadd.s32 @!p0 s1  }
0xf4: {  	[bflag:$0x3] =	sbarrier.arrive $0xFFFF  }
0xf5: {  	_ =	shalt  }

// kernel: kernel.8.cloned.1.call-start
scs
__scs_entry_jumppad:
0x0: {  	(pc) =	sbr.rel $0x88, $3  }
0x1: {  	(tag) =	ssettag $0x0;
	lr =	simm.s32 $0x1  }
0x2: {  	[smem:$0x3F99] =	sst lr;
	_ =	strace $0xD0000000  }
0x3: {  	_ = 	snop  }
0x4: {  	_ = 	snop  }
0x5: {  	_ = 	snop  }
0x6: {  	_ = 	snop  }
0x7: {  	_ = 	snop  }
__scs_overlays_trampoline_lowered:
0x8: {  	[smem:$0x3FA8] =	sst s0  }
0x9: {  	[smem:$0x3FA9] =	sst s1  }
0xa: {  	[smem:$0x3FAA] =	sst s2  }
0xb: {  	[smem:$0x3FAB] =	sst s3  }
0xc: {  	[smem:$0x3FAC] =	sst s4  }
0xd: {  	[smem:$0x3FAD] =	sst s5  }
0xe: {  	[smem:$0x3FAE] =	sst s6  }
0xf: {  	[smem:$0x3FAF] =	sst s7  }
0x10: {  	[smem:$0x3FB0] =	sst s8  }
0x11: {  	[smem:$0x3FB1] =	sst s9;
	s0 =	simm.s32 @!p0 $0x0  }
0x12: {  	s1 =	sld [smem:$0x3F97];
	s0 =	simm.s32 @p0 $0x1  }
0x13: {  	[smem:$0x3FB2] =	sst s0;
	s0 =	simm.s32 @!p1 $0x0  }
0x14: {  	s2 =	sld [smem:$0x3F96];
	s0 =	simm.s32 @p1 $0x1  }
0x15: {  	[smem:$0x3FB3] =	sst s0;
	s0 =	simm.s32 @!p2 $0x0  }
0x16: {  	s3 =	sld [smem:$0x3FDB];
	s0 =	simm.s32 @p2 $0x1  }
0x17: {  	s4 =	simm.s32 $0x1BF5;
	[smem:$0x3FB5] =	sst s0  }
0x18: {  	s0 =	sld [smem:$0x3F98];
	_ =	swait.ge [sflag:s4], $0x0  }
0x19: {  	s7 =	sld [smem:$0x3F99]  }
0x1a: {  	s8 =	sadd.s32 $0xFFFFE003, lr  }
0x1b: {  	s9 =	sadd.s32 $0xFFFFFEF7, lr;
	s5 =	simm.s32 $0xFFFFFFFF;
	p2 =	slt.u32 s8, $0xFFFFF086  }
0x1c: {  	p1 =	slt.u32 s9, $0xF7A;
	s5 =	simm.s32 @!p2 $0x0  }
0x1d: {  	s5 =	simm.s32 @p1 $0x1;
	p0 =	seq.s32 s7, s2  }
0x1e: {  	s7 =	smul.u32 @!p0 $0xF7A, s2;
	p2 =	seq.s32 @!p0 s5, $0x0  }
0x1f: {  	s9 =	smul.u32 $0xF7A, s1;
	s8 =	simm.s32 @!p0 $0x1BF5;
	p2 =	por !p2, p0  }
0x20: {  	[sflag:s8] =	ssyncset.s32 @!p0 $0xFFFFF086;
	s6 =	sadd.s32 @!p0 s3, s7;
	s7 =	simm.s32 @!p0 $0x108  }
0x21: {  	s3 =	sadd.s32 s3, s9;
	s6 =	sadd.s32 @!p0 $0x88, s6;
	s7 =	simm.s32 @p2 $0x1082  }
0x22: {  	[simem:s7], [sflag:s8] =	dma.local @!p0 [hbm:s6], $0xF7A  }
0x23: {  	s9 =	sor.u32 $0xD0000000, s2;
	s6 =	simm.s32 $0x108;
	_ =	swait.ge @!p0 [sflag:s8], $0x0  }
0x24: {  	s3 =	sadd.s32 $0x88, s3;
	s6 =	simm.s32 @!p1 $0x1082;
	[sflag:s4] =	ssyncset.s32 $0xFFFFF086  }
0x25: {  	[simem:s6], [sflag:s4] =	dma.local [hbm:s3], $0xF7A  }
0x26: {  	[smem:$0x3F99] =	sst s1;
	(tag) =	ssettag s2;
	_ =	strace s9  }
0x27: {  	s1 =	sld [smem:$0x3FA9]  }
0x28: {  	s2 =	sld [smem:$0x3FAA]  }
0x29: {  	s4 =	sld [smem:$0x3FAC]  }
0x2a: {  	p0 =	seq.s32 s5, $0x0;
	s5 =	sld [smem:$0x3FAD]  }
0x2b: {  	s6 =	sld [smem:$0x3FAE]  }
0x2c: {  	s7 =	sld [smem:$0x3FAF]  }
0x2d: {  	s3 =	simm.s32 $0x108;
	s8 =	sld [smem:$0x3FB0]  }
0x2e: {  	s3 =	simm.s32 @!p0 $0x1082;
	s9 =	sld [smem:$0x3FB1]  }
0x2f: {  	lr =	sadd.s32 s0, s3;
	s0 =	sld [smem:$0x3FA8]  }
0x30: {  	s3 =	sld [smem:$0x3FAB]  }
0x31: {  	[smem:$0x3FB4] =	sst s10  }
0x32: {  	s10 =	sld [smem:$0x3FB2];
	_ =	sdelay $0x3  }
0x33: {  	p0 =	seq.s32 s10, $0x1;
	s10 =	sld [smem:$0x3FB4];
	_ =	sdelay $0x3  }
0x34: {  	[smem:$0x3FB4] =	sst s10  }
0x35: {  	s10 =	sld [smem:$0x3FB3];
	_ =	sdelay $0x3  }
0x36: {  	p1 =	seq.s32 s10, $0x1;
	s10 =	sld [smem:$0x3FB4];
	_ =	sdelay $0x3  }
0x37: {  	[smem:$0x3FB4] =	sst s10  }
0x38: {  	s10 =	sld [smem:$0x3FB5]  }
0x39: {  	_ = 	snop;
	(pc) =	sbr.ind lr, $3  }
0x3a: {  	_ = 	snop  }
0x3b: {  	_ = 	snop  }
0x3c: {  	p2 =	seq.s32 s10, $0x1;
	s10 =	sld [smem:$0x3FB4]  }
0x3d: {  	_ =	shalt  }
0x3e: {  	_ =	shalt  }
0x3f: {  	_ =	shalt  }
0x40: {  	_ =	shalt  }
0x41: {  	_ =	shalt  }
0x42: {  	_ =	shalt  }
0x43: {  	_ =	shalt  }
0x44: {  	_ =	shalt  }
0x45: {  	_ =	shalt  }
0x46: {  	_ =	shalt  }
0x47: {  	_ =	shalt  }
0x48: {  	_ =	shalt  }
0x49: {  	_ =	shalt  }
0x4a: {  	_ =	shalt  }
0x4b: {  	_ =	shalt  }
0x4c: {  	_ =	shalt  }
0x4d: {  	_ =	shalt  }
0x4e: {  	_ =	shalt  }
0x4f: {  	_ =	shalt  }
0x50: {  	_ =	shalt  }
0x51: {  	_ =	shalt  }
0x52: {  	_ =	shalt  }
0x53: {  	_ =	shalt  }
0x54: {  	_ =	shalt  }
0x55: {  	_ =	shalt  }
0x56: {  	_ =	shalt  }
0x57: {  	_ =	shalt  }
0x58: {  	_ =	shalt  }
0x59: {  	_ =	shalt  }
0x5a: {  	_ =	shalt  }
0x5b: {  	_ =	shalt  }
0x5c: {  	_ =	shalt  }
0x5d: {  	_ =	shalt  }
0x5e: {  	_ =	shalt  }
0x5f: {  	_ =	shalt  }
0x60: {  	_ =	shalt  }
0x61: {  	_ =	shalt  }
0x62: {  	_ =	shalt  }
0x63: {  	_ =	shalt  }
0x64: {  	_ =	shalt  }
0x65: {  	_ =	shalt  }
0x66: {  	_ =	shalt  }
0x67: {  	_ =	shalt  }
0x68: {  	_ =	shalt  }
0x69: {  	_ =	shalt  }
0x6a: {  	_ =	shalt  }
0x6b: {  	_ =	shalt  }
0x6c: {  	_ =	shalt  }
0x6d: {  	_ =	shalt  }
0x6e: {  	_ =	shalt  }
0x6f: {  	_ =	shalt  }
0x70: {  	_ =	shalt  }
0x71: {  	_ =	shalt  }
0x72: {  	_ =	shalt  }
0x73: {  	_ =	shalt  }
0x74: {  	_ =	shalt  }
0x75: {  	_ =	shalt  }
0x76: {  	_ =	shalt  }
0x77: {  	_ =	shalt  }
0x78: {  	_ =	shalt  }
0x79: {  	_ =	shalt  }
0x7a: {  	_ =	shalt  }
0x7b: {  	_ =	shalt  }
0x7c: {  	_ =	shalt  }
0x7d: {  	_ =	shalt  }
0x7e: {  	_ =	shalt  }
0x7f: {  	_ =	shalt  }
0x80: {  	_ =	shalt  }
0x81: {  	_ =	shalt  }
0x82: {  	_ =	shalt  }
0x83: {  	_ =	shalt  }
0x84: {  	_ =	shalt  }
0x85: {  	_ =	shalt  }
0x86: {  	_ =	shalt  }
0x87: {  	_ =	shalt  }
.Lfunc_end0:
.L_simem_size_0:
called_computation_lowered:
.L_overlay_start_0:
0x88: {  	s2 =	sld [smem:$0x3FD9]  }
0x89: {  	s3 =	sld [smem:$0x3FFE];
	_ =	sdelay $0x1  }
0x8a: {  	s1 =	srdreg.scid  }
0x8b: {  	s0 =	sand.u32 $0x1, s1  }
0x8c: {  	s16 =	sshll.u32 s0, $0xA;
	s2 =	sadd.s32 s3, s2  }
0x8d: {  	s2 =	sadd.s32 s2, s16  }
0x8e: {  	[smem:$0x3FC0] =	sst s2  }
0x8f: {  	_ = 	snop  }
0x90: {  	(tm) =	ssettm $0x1  }
0x91: {  	s17 =	sld [smem:$0x3FFB];
	_ =	sdelay $0x3  }
0x92: {  	_ =	strace s17  }
0x93: {  	s2 =	sld [smem:$0x3FFC];
	_ =	sdelay $0x3  }
0x94: {  	_ =	strace s2  }
0x95: {  	s2 =	sld [smem:$0x3FFD];
	_ =	sdelay $0x3  }
0x96: {  	_ =	strace s2  }
0x97: {  	_ =	strace $0x8FFFFFFF  }
0x98: {  	s18 =	sld [smem:$0x3FDB];
	_ =	sdelay $0x1  }
0x99: {  	s19 =	simm.s32 $_scs_section_size  }
0x9a: {  	s4 =	simm.s32 $_size__tile_overlayer_lowered;
	s5 =	simm.s32 $_tile_overlayer_lowered  }
0x9b: {  	s22 =	simm.s32 $0x1BFF;
	s21 =	sshll.u32 s5, $0x1;
	s2 =	sadd.s32 s19, s18  }
0x9c: {  	s6 =	simm.s32 $0x0;
	s20 =	sshll.u32 s4, $0x1;
	s4 =	sadd.s32 s21, s2  }
0x9d: {  	[timem:s6], [sflag:s22] =	dma.local [hbm:s4], s20  }
0x9e: {  	_ =	swait.ge [sflag:s22], s20  }
0x9f: {  	s3 =	ssub.s32 $0x0, s20;
	[sflag:s22] =	ssyncset.done $0x0  }
0xa0: {  	[sflag:s22] =	ssyncadd.s32 s3;
	_ =	sdelay $0x1  }
0xa1: {  	s23 =	simm.s32 $0x1B8B  }
0xa2: {  	_ =	swait.ge [sflag:s23], $0x1  }
0xa3: {  	[sflag:s23] =	ssyncset.done $0x0  }
0xa4: {  	s25 =	simm.s32 $0x1B8E;
	s24 =	sld [smem:$0x3FFE];
	[sflag:s23] =	ssyncadd.s32 $0xFFFFFFFF  }
0xa5: {  	s26 =	simm.s32 $execute0_lowered;
	[smem:$0x3FD2] =	sst s25  }
0xa6: {  	s4 =	sshll.u32 s26, $0x1;
	_ =	strace $0x80000046;
	[dreg:$0x1] =	wrdreg $0xFFFFFFFF  }
0xa7: {  	s28 =	simm.s32 $_size_execute0_lowered;
	s2 =	sadd.s32 s2, s4;
	[dreg:$0x0] =	wrdreg $0x0  }
0xa8: {  	s4 =	sshll.u32 s28, $0x1;
	[dreg:$0x2] =	wrdreg s2  }
0xa9: {  	[dreg:$0x3] =	wrdreg s4  }
0xaa: {  	[dreg:$0x4] =	wrdreg $0xC0  }
0xab: {  	_ =	task [dreg:s6], $0x5FFFF  }
0xac: {  	[dreg:$0x1] =	wrdreg $0xFFFFFFFF  }
0xad: {  	[dreg:$0x0] =	wrdreg $0x60  }
0xae: {  	[dreg:$0x2] =	wrdreg s24  }
0xaf: {  	[dreg:$0x3] =	wrdreg $0x9  }
0xb0: {  	_ =	task.clear_ibuf [dreg:s6], $0x4FFFF;
	_ =	strace $0x90000046  }
0xb1: {  	s29 =	simm.s32 $0x9;
	_ =	strace $0x80000048  }
0xb2: {  	_ =	swait.ge [sflag:s29], $0x1  }
0xb3: {  	[sflag:s29] =	ssyncadd.s32 $0xFFFFFFFF  }
0xb4: {  	_ =	strace $0x90000048  }
0xb5: {  	_ =	sfence  }
0xb6: {  	s30 =	sld [smem:$0x0];
	_ =	sdelay $0x2  }
0xb7: {  	s31 =	sshll.u32 s1, $0xD;
	s1 =	sshrl.u32 s1, $0x2  }
0xb8: {  	s3 =	sand.u32 $0x4000, s31;
	s1 =	sadd.s32 s1, s30  }
0xb9: {  	s0 =	sor.u32 s3, s0;
	s1 =	sshll.u32 s1, $0x11  }
0xba: {  	s0 =	sor.u32 s1, s0  }
0xbb: {  	s0 =	sadd.s32 $0x8F2B, s0  }
0xbc: {  	[sflag:s0] =	ssyncadd.remote.s32 $0x1  }
0xbd: {  	_ =	sfence.sel $0xFFFF  }
0xbe: {  	[dreg:$0x0] =	wrdreg $0xFFFFFFFF;
	(pc) =	sbr.abs _section_cstart, $3  }
0xbf: {  	[dreg:$0x1] =	wrdreg $0xFFFFFFFF  }
0xc0: {  	_ =	task.clear_ibuf [dreg:s6], $0x2FFFF;
	_ =	strace $0x9FFFFFFF  }
0xc1: {  	(tm) =	ssettm $0x7FFFFFFF  }
tec
execute0_lowered:
.L_overlay_start_1:
0x0: {  	(tag) =	ssettag $0x1  }
0x1: {  	s0 =	srdreg.scid  }
0x2: {  	s6 =	rddreg [dreg:$0x0];
	s2 =	simm.s32 $0x0;
	s3 =	sand.u32 $0x1, s0  }
0x3: {  	s0 =	stileid.u32;
	[smem:$0x7FF] =	sst s2;
	s1 =	sshll.u32 s3, $0x4  }
0x4: {  	s7 =	sshll.u32 s0, $0x7;
	s30 =	ssub.s32 $0x2, s3;
	s4 =	sor.u32 s0, s1  }
0x5: {  	s1 =	rddreg [dreg:$0x1];
	s5 =	sshrl.u32 s4, $0x3;
	s4 =	smul.u32 $0x4E2, s4  }
0x6: {  	s7 =	sand.u32 $0x380, s7;
	_ =	strace $0x80000047;
	s5 =	smul.u32 $0x13C00, s5  }
0x7: {  	s9 =	sshrl.u32 s30, $0x1;
	s31 =	sadd.s32 s4, s6;
	s4 =	simm.s32 $0x1  }
0x8: {  	s5 =	sor.u32 s7, s5;
	s3 =	sadd.s32 $0x2800, s31;
	s7 =	ssub.s32 s30, s9  }
0x9: {  	s8 =	sshrl.u32 s5, $0x3;
	s5 =	simm.s32 $0x2780;
	s9 =	smax.u32 s7, $0x1  }
0xa: {  	[tilespmem:s5], [sflag:$0x1] =	stream.linear.gather [hbm4b:s3+s2], $0x2710, $0x38;
	[tilespmem:$0x4F00] =	vst v63  }
0xb: {  	s7 =	simm.s32 $0x80;
	p0 =	sne.s32 s9, $0x1;
	_ =	swait.ge [sflag:s4], $0x2710  }
.Ltmp0:
0xc: {  	s6 =	sadd.s32 s8, s6;
	[sflag:s4] =	ssyncset.done $0x0;
	(pc) =	sbr.rel @!p0 .LBB2_2-.Ltmp0, $4  }
0xd: {  	s8 =	simm.s32 $0x400;
	s6 =	sadd.s32 $0xC600, s6;
	[sflag:s4] =	ssyncadd.s32 $0xFFFFD8F0  }
0xe: {  	[hbm4b:s6+s7] =	stream.strided.scatter [tilespmem:s2], [sflag:$0x1], $0x2780, s8, s7, $0x38;
	[tilespmem:$0x4F00] =	vst v63  }
0xf: {  	_ =	swait.ge [sflag:s4], $0x2780  }
0x10: {  	s9 =	sadd.s32 $0xFFFFFFFF, s9;
	[sflag:s4] =	ssyncset.done $0x0  }
.LBB2_1:
0x11: {  	p0 =	sne.s32 s9, $0x1;
	s9 =	sadd.s32 $0xFFFFFFFF, s9;
	[sflag:s4] =	ssyncadd.s32 $0xFFFFD880  }
0x12: {  	[tilespmem:s5], [sflag:$0x1] =	stream.linear.gather [hbm4b:s3+s2], $0x2710, $0x38;
	[tilespmem:$0x4F00] =	vst v63  }
0x13: {  	_ =	swait.ge [sflag:s4], $0x2710  }
.Ltmp1:
0x14: {  	[sflag:s4] =	ssyncset.done $0x0;
	(pc) =	sbr.rel @p0 .LBB2_1-.Ltmp1, $4  }
0x15: {  	[sflag:s4] =	ssyncadd.s32 $0xFFFFD8F0  }
0x16: {  	[hbm4b:s6+s7] =	stream.strided.scatter [tilespmem:s2], [sflag:$0x1], $0x2780, s8, s7, $0x38;
	[tilespmem:$0x4F00] =	vst v63  }
0x17: {  	_ =	swait.ge [sflag:s4], $0x2780  }
0x18: {  	[sflag:s4] =	ssyncset.done $0x0  }
.LBB2_2:
0x19: {  	[sflag:s4] =	ssyncadd.s32 $0xFFFFD880  }
0x1a: {  	_ =	sfence.sel $0x180000  }
0x1b: {  	[bflag:$0x0] =	sbarrier.arrive $0xFFFF  }
0x1c: {  	p0 =	sne.s32 s0, $0x0;
	_ =	strace $0x90000047  }
0x1d: {  	s0 =	sadd.s32 @!p0 $0x100000, s1;
	[bflag:$0x2] =	sbarrier.arrive $0xFFFF  }
0x1e: {  	[sflag:s0] =	ssyncadd.tile.s32 @!p0 $0x1;
	_ =	shalt  }
.Lfunc_end2:
_tile_overlayer_lowered:
.L_overlay_start_2:
0x1f: {  	(tag) =	ssettag $0x2  }
0x20: {  	s0 =	rddreg [dreg:$0x0];
	s2 =	stileid.u32  }
0x21: {  	s1 =	rddreg [dreg:$0x1];
	p0 =	sne.s32 s2, $0x0  }
0x22: {  	s3 =	rddreg [dreg:$0x2];
	[bflag:$0x3] =	sbarrier.arrive $0xFFFF;
	s2 =	simm.s32 @!p0 $0x1C01  }
0x23: {  	[timem:s3], [sflag:s2] =	dma.local @!p0 [hbm:s0], s1  }
0x24: {  	s0 =	simm.s32 @!p0 $0x1  }
0x25: {  	_ =	swait.ge @!p0 [sflag:s0], s1  }
0x26: {  	s1 =	ssub.s32 @!p0 $0x0, s1;
	[sflag:s0] =	ssyncset.done @!p0 $0x0  }
0x27: {  	[sflag:s0] =	ssyncadd.s32 @!p0 s1  }
0x28: {  	[bflag:$0x3] =	sbarrier.arrive $0xFFFF  }
0x29: {  	_ =	shalt  }

</sc_bundles>
